<compile_context>
chip_gen: v7x
topology: tpu7x:2x2x1
jax: 0.10.2.dev20260603
libtpu: 0.0.44.dev20260713+nightly
codegen_flags: <defaults>
</compile_context>

<pallas_src>
import functools

import jax
import jax.numpy as jnp
import numpy as np
from jax import lax
from jax.experimental import pallas as pl
from jax.experimental.pallas import tpu as pltpu
from jax.experimental.pallas import tpu_sc as plsc

_B, _C, _N = 16, 128, 16384
_K = 4096
_L = 16



def _tf2x32(k1, k2, x1, x2):
    k1 = np.uint32(k1)
    k2 = np.uint32(k2)
    x1 = x1.astype(np.uint32).copy()
    x2 = x2.astype(np.uint32).copy()
    rot = [np.uint32([13, 15, 26, 6]), np.uint32([17, 29, 16, 24])]
    ks = [k1, k2, k1 ^ k2 ^ np.uint32(0x1BD11BDA)]

    def rl(v, d):
        return (v << np.uint32(d)) | (v >> np.uint32(32 - d))

    x1 += ks[0]
    x2 += ks[1]
    order = [(0, ks[1], ks[2], 1), (1, ks[2], ks[0], 2), (0, ks[0], ks[1], 3),
             (1, ks[1], ks[2], 4), (0, ks[2], ks[0], 5)]
    for (ri, a0, a1, c) in order:
        for r in rot[ri]:
            x1 += x2
            x2 = rl(x2, r)
            x2 ^= x1
        x1 += a0
        x2 += a1 + np.uint32(c)
    return x1, x2


def _iota_2x32(n):
    i = np.arange(n, dtype=np.uint64)
    return ((i >> np.uint64(32)).astype(np.uint32),
            (i & np.uint64(0xFFFFFFFF)).astype(np.uint32))


def _split_key(key, num):
    c1, c2 = _iota_2x32(num)
    b1, b2 = _tf2x32(key[0], key[1], c1, c2)
    return np.stack([b1, b2], axis=1)


def _random_bits32(key, n):
    c1, c2 = _iota_2x32(n)
    b1, b2 = _tf2x32(key[0], key[1], c1, c2)
    return b1 ^ b2


def _sample_idx(seed, b, n, k) -> np.ndarray:
    keys = _split_key(np.uint32([0, seed]), b)
    out = np.empty((b, k), dtype=np.int32)
    num_rounds = int(np.ceil(3 * np.log(n) / np.log(2**32 - 1)))
    for i in range(b):
        key = keys[i]
        x = np.arange(n, dtype=np.int32)
        for _ in range(num_rounds):
            kk = _split_key(key, 2)
            key, sub = kk[0], kk[1]
            x = x[np.argsort(_random_bits32(sub, n), kind="stable")]
        out[i] = x[:k]
    return out


_IDX = _sample_idx(42, _B, _N, _K)


_R = 2
_NG = (_C // 2) // _R
_NB = 3


def _gather_body(x_hbm, idx_hbm, out_hbm, idx_v, *bufs):
    b = lax.axis_index("s")
    c0 = lax.axis_index("c") * (_C // 2)
    ins, outs = bufs[:_NB], bufs[_NB:2 * _NB]
    sis, sos = bufs[2 * _NB:3 * _NB], bufs[3 * _NB:4 * _NB]

    for j in range(_NB):
        pltpu.async_copy(x_hbm.at[b, pl.ds(c0 + j * _R, _R)], ins[j], sis[j])
    pltpu.sync_copy(idx_hbm.at[pl.ds(b * _K, _K)], idx_v)

    def do_group(g, j, s):
        c = c0 + g * _R
        pltpu.make_async_copy(
            x_hbm.at[b, pl.ds(c, _R)], ins[j], sis[j]).wait()

        @pl.when(s > 0)
        def _():
            pltpu.make_async_copy(
                outs[j], out_hbm.at[b, pl.ds(c - _NB * _R, _R)],
                sos[j]).wait()

        @plsc.parallel_loop(0, _K // _L, unroll=8)
        def gbody(i):
            off = pl.multiple_of(i * _L, _L)
            iv = idx_v[pl.ds(off, _L)]
            for r in range(_R):
                rv = jnp.full((_L,), r, jnp.int32)
                outs[j][r, pl.ds(off, _L)] = plsc.load_gather(
                    ins[j], [rv, iv])

        pltpu.async_copy(outs[j], out_hbm.at[b, pl.ds(c, _R)], sos[j])

        @pl.when(g + _NB < _NG)
        def _():
            c2 = c0 + (g + _NB) * _R
            pltpu.async_copy(x_hbm.at[b, pl.ds(c2, _R)], ins[j], sis[j])

    def step(s, _):
        for j in range(_NB):
            do_group(s * _NB + j, j, s)
        return 0

    nfull = _NG // _NB
    lax.fori_loop(0, nfull, step, 0)
    for t in range(_NG - nfull * _NB):
        do_group(jnp.int32(nfull * _NB + t), t, jnp.int32(1))
    for j in range(_NB):
        pltpu.make_async_copy(outs[j], out_hbm.at[b, pl.ds(c0, _R)],
                              sos[j]).wait()


@jax.jit
def _run(x, idx):
    mesh = plsc.VectorSubcoreMesh(core_axis_name="c", subcore_axis_name="s")
    f = functools.partial(
        pl.kernel,
        mesh=mesh,
        compiler_params=pltpu.CompilerParams(needs_layout_passes=False),
        out_type=jax.ShapeDtypeStruct((_B, _C, _K), jnp.float32),
        scratch_types=(
            [pltpu.VMEM((_K,), jnp.int32)]
            + [pltpu.VMEM((_R, _N), jnp.float32)] * _NB
            + [pltpu.VMEM((_R, _K), jnp.float32)] * _NB
            + [pltpu.SemaphoreType.DMA] * (2 * _NB)
        ),
    )(_gather_body)
    return f(x, idx)


def kernel(x):
    idx = jnp.asarray(_IDX.reshape(-1))
    return _run(x, idx)

# --- scband reference (transcript-rebuilt; emitter-appended) ---
"""Pipeline reference for scband-random-sampler-1529008357472 (READ-ONLY COPY).

The authoritative reference and input builder live on the scoring server;
editing this copy changes nothing except your own understanding.
"""

import jax, jax.numpy as jnp
import numpy as np

NUM_OUT_POINTS = 4096


def setup_inputs(seed: int = 0) -> dict:
    key = jax.random.key(seed)
    x = jax.random.normal(key, (16, 128, 16384), dtype=jnp.float32)
    return {"x": x}


def reference(x):
    # RandomSampler: per-batch random permutation of the N point indices,
    # take the first num_out_points, then gather along the last (point) axis.
    B, C, N = x.shape
    base = jax.random.key(42)
    keys = jax.random.split(base, B)
    idx = jnp.stack([jax.random.permutation(keys[i], N)[:NUM_OUT_POINTS] for i in range(B)], axis=0)
    idx = idx.astype(jnp.int32)
    # y[b, c, k] = x[b, c, idx[b, k]]
    idx_b = jnp.broadcast_to(idx[:, None, :], (B, C, NUM_OUT_POINTS))
    y = jnp.take_along_axis(x, idx_b, axis=2)
    return y

if __name__ == "__main__":
    import jax
    _d = setup_inputs()
    print(jax.jit(kernel)(*tuple(_d.values())))

</pallas_src>

<mosaic_0001>
#map = affine_map<(d0, d1) -> (0, 0, 0)>
#map1 = affine_map<(d0, d1) -> (0)>
module attributes {stable_mosaic.version = 14 : i64} {
  func.func @_gather_body(%arg0: i32, %arg1: i32, %arg2: memref<16x128x16384xf32, #tpu.memory_space<hbm>>, %arg3: memref<65536xi32, #tpu.memory_space<hbm>>, %arg4: memref<16x128x4096xf32, #tpu.memory_space<hbm>>, %arg5: memref<4096xi32, #tpu.memory_space<vmem>>, %arg6: memref<2x16384xf32, #tpu.memory_space<vmem>>, %arg7: memref<2x16384xf32, #tpu.memory_space<vmem>>, %arg8: memref<2x16384xf32, #tpu.memory_space<vmem>>, %arg9: memref<2x4096xf32, #tpu.memory_space<vmem>>, %arg10: memref<2x4096xf32, #tpu.memory_space<vmem>>, %arg11: memref<2x4096xf32, #tpu.memory_space<vmem>>, %arg12: memref<!tpu.dma_semaphore, #tpu.memory_space<semaphore_mem>>, %arg13: memref<!tpu.dma_semaphore, #tpu.memory_space<semaphore_mem>>, %arg14: memref<!tpu.dma_semaphore, #tpu.memory_space<semaphore_mem>>, %arg15: memref<!tpu.dma_semaphore, #tpu.memory_space<semaphore_mem>>, %arg16: memref<!tpu.dma_semaphore, #tpu.memory_space<semaphore_mem>>, %arg17: memref<!tpu.dma_semaphore, #tpu.memory_space<semaphore_mem>>) attributes {dimension_semantics = [#tpu.dimension_semantics<core_parallel>, #tpu.dimension_semantics<subcore_parallel>], iteration_bounds = array<i64: 2, 16>, scalar_prefetch = 0 : i64, scratch_operands = 13 : i64, tpu.core_type = #tpu.core_type<sc_vector_subcore>, window_params = [{transform_indices = #map}, {transform_indices = #map1}, {transform_indices = #map}]} {
    %mul3A = arith.constant 64 : i32
    %mul3A_0 = arith.muli %arg0, %mul3A : i32
    %add3A = arith.constant 0 : i32
    %add3A_1 = arith.addi %mul3A_0, %add3A : i32
    %dma_start3A = arith.constant 0 : i32
    %dma_start3A_2 = tpu.memref_slice %arg2[%arg1, %add3A_1, %dma_start3A] : memref<16x128x16384xf32, #tpu.memory_space<hbm>> -> memref<1x2x16384xf32, #tpu.memory_space<hbm>>
    %dma_start3A_3 = tpu.memref_squeeze %dma_start3A_2 : memref<1x2x16384xf32, #tpu.memory_space<hbm>> -> memref<2x16384xf32, #tpu.memory_space<hbm>>
    %dma_start3A_4 = arith.constant 0 : i32
    %dma_start3A_5 = tpu.memref_slice %arg2[%arg1, %add3A_1, %dma_start3A_4] : memref<16x128x16384xf32, #tpu.memory_space<hbm>> -> memref<1x2x16384xf32, #tpu.memory_space<hbm>>
    %dma_start3A_6 = tpu.memref_squeeze %dma_start3A_5 : memref<1x2x16384xf32, #tpu.memory_space<hbm>> -> memref<2x16384xf32, #tpu.memory_space<hbm>>
    tpu.enqueue_dma source(%dma_start3A_6 : memref<2x16384xf32, #tpu.memory_space<hbm>>) target(%arg6 : memref<2x16384xf32, #tpu.memory_space<vmem>>) target_semaphore(%arg12 : memref<!tpu.dma_semaphore, #tpu.memory_space<semaphore_mem>>)
    %add3A_7 = arith.constant 2 : i32
    %add3A_8 = arith.addi %mul3A_0, %add3A_7 : i32
    %dma_start3A_9 = arith.constant 0 : i32
    %dma_start3A_10 = tpu.memref_slice %arg2[%arg1, %add3A_8, %dma_start3A_9] : memref<16x128x16384xf32, #tpu.memory_space<hbm>> -> memref<1x2x16384xf32, #tpu.memory_space<hbm>>
    %dma_start3A_11 = tpu.memref_squeeze %dma_start3A_10 : memref<1x2x16384xf32, #tpu.memory_space<hbm>> -> memref<2x16384xf32, #tpu.memory_space<hbm>>
    %dma_start3A_12 = arith.constant 0 : i32
    %dma_start3A_13 = tpu.memref_slice %arg2[%arg1, %add3A_8, %dma_start3A_12] : memref<16x128x16384xf32, #tpu.memory_space<hbm>> -> memref<1x2x16384xf32, #tpu.memory_space<hbm>>
    %dma_start3A_14 = tpu.memref_squeeze %dma_start3A_13 : memref<1x2x16384xf32, #tpu.memory_space<hbm>> -> memref<2x16384xf32, #tpu.memory_space<hbm>>
    tpu.enqueue_dma source(%dma_start3A_14 : memref<2x16384xf32, #tpu.memory_space<hbm>>) target(%arg7 : memref<2x16384xf32, #tpu.memory_space<vmem>>) target_semaphore(%arg13 : memref<!tpu.dma_semaphore, #tpu.memory_space<semaphore_mem>>)
    %add3A_15 = arith.constant 4 : i32
    %add3A_16 = arith.addi %mul3A_0, %add3A_15 : i32
    %dma_start3A_17 = arith.constant 0 : i32
    %dma_start3A_18 = tpu.memref_slice %arg2[%arg1, %add3A_16, %dma_start3A_17] : memref<16x128x16384xf32, #tpu.memory_space<hbm>> -> memref<1x2x16384xf32, #tpu.memory_space<hbm>>
    %dma_start3A_19 = tpu.memref_squeeze %dma_start3A_18 : memref<1x2x16384xf32, #tpu.memory_space<hbm>> -> memref<2x16384xf32, #tpu.memory_space<hbm>>
    %dma_start3A_20 = arith.constant 0 : i32
    %dma_start3A_21 = tpu.memref_slice %arg2[%arg1, %add3A_16, %dma_start3A_20] : memref<16x128x16384xf32, #tpu.memory_space<hbm>> -> memref<1x2x16384xf32, #tpu.memory_space<hbm>>
    %dma_start3A_22 = tpu.memref_squeeze %dma_start3A_21 : memref<1x2x16384xf32, #tpu.memory_space<hbm>> -> memref<2x16384xf32, #tpu.memory_space<hbm>>
    tpu.enqueue_dma source(%dma_start3A_22 : memref<2x16384xf32, #tpu.memory_space<hbm>>) target(%arg8 : memref<2x16384xf32, #tpu.memory_space<vmem>>) target_semaphore(%arg14 : memref<!tpu.dma_semaphore, #tpu.memory_space<semaphore_mem>>)
    %mul3A_23 = arith.constant 4096 : i32
    %mul3A_24 = arith.muli %arg1, %mul3A_23 : i32
    "tpu.region"() ({
      %run_scoped3A = tpu.sem_alloc : memref<!tpu.dma_semaphore, #tpu.memory_space<semaphore_mem>>
      %dma_start3A_111 = tpu.memref_slice %arg3[%mul3A_24] : memref<65536xi32, #tpu.memory_space<hbm>> -> memref<4096xi32, #tpu.memory_space<hbm>>
      %dma_start3A_112 = tpu.memref_slice %arg3[%mul3A_24] : memref<65536xi32, #tpu.memory_space<hbm>> -> memref<4096xi32, #tpu.memory_space<hbm>>
      tpu.enqueue_dma source(%dma_start3A_112 : memref<4096xi32, #tpu.memory_space<hbm>>) target(%arg5 : memref<4096xi32, #tpu.memory_space<vmem>>) target_semaphore(%run_scoped3A : memref<!tpu.dma_semaphore, #tpu.memory_space<semaphore_mem>>)
      %dma_wait3A_113 = tpu.memref_slice %arg3[%mul3A_24] : memref<65536xi32, #tpu.memory_space<hbm>> -> memref<4096xi32, #tpu.memory_space<hbm>>
      %dma_wait3A_114 = tpu.memref_slice %arg3[%mul3A_24] : memref<65536xi32, #tpu.memory_space<hbm>> -> memref<4096xi32, #tpu.memory_space<hbm>>
      tpu.wait_dma2 semaphore(%run_scoped3A : memref<!tpu.dma_semaphore, #tpu.memory_space<semaphore_mem>>) src(%dma_wait3A_114 : memref<4096xi32, #tpu.memory_space<hbm>>) dst(%arg5 : memref<4096xi32, #tpu.memory_space<vmem>>)
      tpu.yield
    }) : () -> ()
    %scan3A = arith.constant 0 : i32
    %scan3A_25 = arith.constant 0 : i32
    %scan3A_26 = arith.constant 10 : i32
    %scan3A_27 = arith.addi %scan3A_25, %scan3A_26 : i32
    %scan3A_28 = arith.constant 1 : i32
    %scan3A_29 = scf.for %scan3A_111 = %scan3A_25 to %scan3A_27 step %scan3A_28 iter_args(%scan3A_112 = %scan3A) -> (i32)  : i32 {
      %mul3A_113 = arith.constant 3 : i32
      %mul3A_114 = arith.muli %scan3A_111, %mul3A_113 : i32
      %add3A_115 = arith.constant 0 : i32
      %add3A_116 = arith.addi %mul3A_114, %add3A_115 : i32
      %mul3A_117 = arith.constant 2 : i32
      %mul3A_118 = arith.muli %add3A_116, %mul3A_117 : i32
      %add3A_119 = arith.addi %mul3A_0, %mul3A_118 : i32
      %dma_wait3A_120 = arith.constant 0 : i32
      %dma_wait3A_121 = tpu.memref_slice %arg2[%arg1, %add3A_119, %dma_wait3A_120] : memref<16x128x16384xf32, #tpu.memory_space<hbm>> -> memref<1x2x16384xf32, #tpu.memory_space<hbm>>
      %dma_wait3A_122 = tpu.memref_squeeze %dma_wait3A_121 : memref<1x2x16384xf32, #tpu.memory_space<hbm>> -> memref<2x16384xf32, #tpu.memory_space<hbm>>
      %dma_wait3A_123 = arith.constant 0 : i32
      %dma_wait3A_124 = tpu.memref_slice %arg2[%arg1, %add3A_119, %dma_wait3A_123] : memref<16x128x16384xf32, #tpu.memory_space<hbm>> -> memref<1x2x16384xf32, #tpu.memory_space<hbm>>
      %dma_wait3A_125 = tpu.memref_squeeze %dma_wait3A_124 : memref<1x2x16384xf32, #tpu.memory_space<hbm>> -> memref<2x16384xf32, #tpu.memory_space<hbm>>
      tpu.wait_dma2 semaphore(%arg12 : memref<!tpu.dma_semaphore, #tpu.memory_space<semaphore_mem>>) src(%dma_wait3A_125 : memref<2x16384xf32, #tpu.memory_space<hbm>>) dst(%arg6 : memref<2x16384xf32, #tpu.memory_space<vmem>>)
      %gt3A_126 = arith.constant 0 : i32
      %gt3A_127 = arith.cmpi sgt, %scan3A_111, %gt3A_126 : i32
      %convert_element_type3A_128 = arith.extui %gt3A_127 : i1 to i32
      %cond3A_129 = arith.constant 0 : i32
      %cond3A_130 = arith.cmpi ne, %convert_element_type3A_128, %cond3A_129 : i32
      scf.if %cond3A_130 {
        %sub3A = arith.constant 6 : i32
        %sub3A_216 = arith.subi %add3A_119, %sub3A : i32
        %dma_wait3A_217 = arith.constant 0 : i32
        %dma_wait3A_218 = tpu.memref_slice %arg4[%arg1, %sub3A_216, %dma_wait3A_217] : memref<16x128x4096xf32, #tpu.memory_space<hbm>> -> memref<1x2x4096xf32, #tpu.memory_space<hbm>>
        %dma_wait3A_219 = tpu.memref_squeeze %dma_wait3A_218 : memref<1x2x4096xf32, #tpu.memory_space<hbm>> -> memref<2x4096xf32, #tpu.memory_space<hbm>>
        %dma_wait3A_220 = arith.constant 0 : i32
        %dma_wait3A_221 = tpu.memref_slice %arg4[%arg1, %sub3A_216, %dma_wait3A_220] : memref<16x128x4096xf32, #tpu.memory_space<hbm>> -> memref<1x2x4096xf32, #tpu.memory_space<hbm>>
        %dma_wait3A_222 = tpu.memref_squeeze %dma_wait3A_221 : memref<1x2x4096xf32, #tpu.memory_space<hbm>> -> memref<2x4096xf32, #tpu.memory_space<hbm>>
        tpu.wait_dma2 semaphore(%arg15 : memref<!tpu.dma_semaphore, #tpu.memory_space<semaphore_mem>>) src(%arg9 : memref<2x4096xf32, #tpu.memory_space<vmem>>) dst(%dma_wait3A_222 : memref<2x4096xf32, #tpu.memory_space<hbm>>)
      } else {
      }
      %parallel_loop3A_131 = arith.constant 0 : i32
      %parallel_loop3A_132 = arith.constant 256 : i32
      %parallel_loop3A_133 = arith.constant 1 : i32
      scf.for %parallel_loop3A_216 = %parallel_loop3A_131 to %parallel_loop3A_132 step %parallel_loop3A_133  : i32 {
        %parallel_loop3A_217 = arith.constant 16 : i32
        %parallel_loop3A_218 = arith.muli %parallel_loop3A_216, %parallel_loop3A_217 : i32
        %parallel_loop3A_219 = tpu.assume_multiple %parallel_loop3A_218, 16 : i32
        %parallel_loop3A_220 = arith.index_cast %parallel_loop3A_219 : i32 to index
        %parallel_loop3A_221 = tpu.vector_load %arg5[%parallel_loop3A_220] {strides = array<i32>} : memref<4096xi32, #tpu.memory_space<vmem>>, vector<16xi32>,
        %parallel_loop3A_222 = arith.constant 0 : i32
        %parallel_loop3A_223 = vector.broadcast %parallel_loop3A_222 : i32 to vector<16xi32>
        %parallel_loop3A_224 = tpu.vector_load_idx %arg6[%parallel_loop3A_223, %parallel_loop3A_221] : memref<2x16384xf32, #tpu.memory_space<vmem>>[vector<16xi32>, vector<16xi32>], vector<16xf32>,
        %parallel_loop3A_225 = arith.constant 0 : i32
        %parallel_loop3A_226 = arith.index_cast %parallel_loop3A_225 : i32 to index
        %parallel_loop3A_227 = arith.index_cast %parallel_loop3A_219 : i32 to index
        %parallel_loop3A_228 = tpu.vector_load %arg9[%parallel_loop3A_226, %parallel_loop3A_227] {strides = array<i32>} : memref<2x4096xf32, #tpu.memory_space<vmem>>, vector<16xf32>,
        tpu.vector_store %arg9[%parallel_loop3A_226, %parallel_loop3A_227], %parallel_loop3A_224 {strides = array<i32>} : memref<2x4096xf32, #tpu.memory_space<vmem>>, vector<16xf32>,
        %parallel_loop3A_229 = arith.constant 1 : i32
        %parallel_loop3A_230 = vector.broadcast %parallel_loop3A_229 : i32 to vector<16xi32>
        %parallel_loop3A_231 = tpu.vector_load_idx %arg6[%parallel_loop3A_230, %parallel_loop3A_221] : memref<2x16384xf32, #tpu.memory_space<vmem>>[vector<16xi32>, vector<16xi32>], vector<16xf32>,
        %parallel_loop3A_232 = arith.constant 1 : i32
        %parallel_loop3A_233 = arith.index_cast %parallel_loop3A_232 : i32 to index
        %parallel_loop3A_234 = arith.index_cast %parallel_loop3A_219 : i32 to index
        %parallel_loop3A_235 = tpu.vector_load %arg9[%parallel_loop3A_233, %parallel_loop3A_234] {strides = array<i32>} : memref<2x4096xf32, #tpu.memory_space<vmem>>, vector<16xf32>,
        tpu.vector_store %arg9[%parallel_loop3A_233, %parallel_loop3A_234], %parallel_loop3A_231 {strides = array<i32>} : memref<2x4096xf32, #tpu.memory_space<vmem>>, vector<16xf32>,
      } {sc.loop_unroll_factor = 8 : i64, sc.parallel_access}
      %dma_start3A_134 = arith.constant 0 : i32
      %dma_start3A_135 = tpu.memref_slice %arg4[%arg1, %add3A_119, %dma_start3A_134] : memref<16x128x4096xf32, #tpu.memory_space<hbm>> -> memref<1x2x4096xf32, #tpu.memory_space<hbm>>
      %dma_start3A_136 = tpu.memref_squeeze %dma_start3A_135 : memref<1x2x4096xf32, #tpu.memory_space<hbm>> -> memref<2x4096xf32, #tpu.memory_space<hbm>>
      %dma_start3A_137 = arith.constant 0 : i32
      %dma_start3A_138 = tpu.memref_slice %arg4[%arg1, %add3A_119, %dma_start3A_137] : memref<16x128x4096xf32, #tpu.memory_space<hbm>> -> memref<1x2x4096xf32, #tpu.memory_space<hbm>>
      %dma_start3A_139 = tpu.memref_squeeze %dma_start3A_138 : memref<1x2x4096xf32, #tpu.memory_space<hbm>> -> memref<2x4096xf32, #tpu.memory_space<hbm>>
      tpu.enqueue_dma source(%arg9 : memref<2x4096xf32, #tpu.memory_space<vmem>>) target(%dma_start3A_139 : memref<2x4096xf32, #tpu.memory_space<hbm>>) target_semaphore(%arg15 : memref<!tpu.dma_semaphore, #tpu.memory_space<semaphore_mem>>)
      %add3A_140 = arith.constant 3 : i32
      %add3A_141 = arith.addi %add3A_116, %add3A_140 : i32
      %lt3A_142 = arith.constant 32 : i32
      %lt3A_143 = arith.cmpi slt, %add3A_141, %lt3A_142 : i32
      %convert_element_type3A_144 = arith.extui %lt3A_143 : i1 to i32
      %cond3A_145 = arith.constant 0 : i32
      %cond3A_146 = arith.cmpi ne, %convert_element_type3A_144, %cond3A_145 : i32
      scf.if %cond3A_146 {
        %add3A_216 = arith.constant 3 : i32
        %add3A_217 = arith.addi %add3A_116, %add3A_216 : i32
        %mul3A_218 = arith.constant 2 : i32
        %mul3A_219 = arith.muli %add3A_217, %mul3A_218 : i32
        %add3A_220 = arith.addi %mul3A_0, %mul3A_219 : i32
        %dma_start3A_221 = arith.constant 0 : i32
        %dma_start3A_222 = tpu.memref_slice %arg2[%arg1, %add3A_220, %dma_start3A_221] : memref<16x128x16384xf32, #tpu.memory_space<hbm>> -> memref<1x2x16384xf32, #tpu.memory_space<hbm>>
        %dma_start3A_223 = tpu.memref_squeeze %dma_start3A_222 : memref<1x2x16384xf32, #tpu.memory_space<hbm>> -> memref<2x16384xf32, #tpu.memory_space<hbm>>
        %dma_start3A_224 = arith.constant 0 : i32
        %dma_start3A_225 = tpu.memref_slice %arg2[%arg1, %add3A_220, %dma_start3A_224] : memref<16x128x16384xf32, #tpu.memory_space<hbm>> -> memref<1x2x16384xf32, #tpu.memory_space<hbm>>
        %dma_start3A_226 = tpu.memref_squeeze %dma_start3A_225 : memref<1x2x16384xf32, #tpu.memory_space<hbm>> -> memref<2x16384xf32, #tpu.memory_space<hbm>>
        tpu.enqueue_dma source(%dma_start3A_226 : memref<2x16384xf32, #tpu.memory_space<hbm>>) target(%arg6 : memref<2x16384xf32, #tpu.memory_space<vmem>>) target_semaphore(%arg12 : memref<!tpu.dma_semaphore, #tpu.memory_space<semaphore_mem>>)
      } else {
      }
      %mul3A_147 = arith.constant 3 : i32
      %mul3A_148 = arith.muli %scan3A_111, %mul3A_147 : i32
      %add3A_149 = arith.constant 1 : i32
      %add3A_150 = arith.addi %mul3A_148, %add3A_149 : i32
      %mul3A_151 = arith.constant 2 : i32
      %mul3A_152 = arith.muli %add3A_150, %mul3A_151 : i32
      %add3A_153 = arith.addi %mul3A_0, %mul3A_152 : i32
      %dma_wait3A_154 = arith.constant 0 : i32
      %dma_wait3A_155 = tpu.memref_slice %arg2[%arg1, %add3A_153, %dma_wait3A_154] : memref<16x128x16384xf32, #tpu.memory_space<hbm>> -> memref<1x2x16384xf32, #tpu.memory_space<hbm>>
      %dma_wait3A_156 = tpu.memref_squeeze %dma_wait3A_155 : memref<1x2x16384xf32, #tpu.memory_space<hbm>> -> memref<2x16384xf32, #tpu.memory_space<hbm>>
      %dma_wait3A_157 = arith.constant 0 : i32
      %dma_wait3A_158 = tpu.memref_slice %arg2[%arg1, %add3A_153, %dma_wait3A_157] : memref<16x128x16384xf32, #tpu.memory_space<hbm>> -> memref<1x2x16384xf32, #tpu.memory_space<hbm>>
      %dma_wait3A_159 = tpu.memref_squeeze %dma_wait3A_158 : memref<1x2x16384xf32, #tpu.memory_space<hbm>> -> memref<2x16384xf32, #tpu.memory_space<hbm>>
      tpu.wait_dma2 semaphore(%arg13 : memref<!tpu.dma_semaphore, #tpu.memory_space<semaphore_mem>>) src(%dma_wait3A_159 : memref<2x16384xf32, #tpu.memory_space<hbm>>) dst(%arg7 : memref<2x16384xf32, #tpu.memory_space<vmem>>)
      %gt3A_160 = arith.constant 0 : i32
      %gt3A_161 = arith.cmpi sgt, %scan3A_111, %gt3A_160 : i32
      %convert_element_type3A_162 = arith.extui %gt3A_161 : i1 to i32
      %cond3A_163 = arith.constant 0 : i32
      %cond3A_164 = arith.cmpi ne, %convert_element_type3A_162, %cond3A_163 : i32
      scf.if %cond3A_164 {
        %sub3A = arith.constant 6 : i32
        %sub3A_216 = arith.subi %add3A_153, %sub3A : i32
        %dma_wait3A_217 = arith.constant 0 : i32
        %dma_wait3A_218 = tpu.memref_slice %arg4[%arg1, %sub3A_216, %dma_wait3A_217] : memref<16x128x4096xf32, #tpu.memory_space<hbm>> -> memref<1x2x4096xf32, #tpu.memory_space<hbm>>
        %dma_wait3A_219 = tpu.memref_squeeze %dma_wait3A_218 : memref<1x2x4096xf32, #tpu.memory_space<hbm>> -> memref<2x4096xf32, #tpu.memory_space<hbm>>
        %dma_wait3A_220 = arith.constant 0 : i32
        %dma_wait3A_221 = tpu.memref_slice %arg4[%arg1, %sub3A_216, %dma_wait3A_220] : memref<16x128x4096xf32, #tpu.memory_space<hbm>> -> memref<1x2x4096xf32, #tpu.memory_space<hbm>>
        %dma_wait3A_222 = tpu.memref_squeeze %dma_wait3A_221 : memref<1x2x4096xf32, #tpu.memory_space<hbm>> -> memref<2x4096xf32, #tpu.memory_space<hbm>>
        tpu.wait_dma2 semaphore(%arg16 : memref<!tpu.dma_semaphore, #tpu.memory_space<semaphore_mem>>) src(%arg10 : memref<2x4096xf32, #tpu.memory_space<vmem>>) dst(%dma_wait3A_222 : memref<2x4096xf32, #tpu.memory_space<hbm>>)
      } else {
      }
      %parallel_loop3A_165 = arith.constant 0 : i32
      %parallel_loop3A_166 = arith.constant 256 : i32
      %parallel_loop3A_167 = arith.constant 1 : i32
      scf.for %parallel_loop3A_216 = %parallel_loop3A_165 to %parallel_loop3A_166 step %parallel_loop3A_167  : i32 {
        %parallel_loop3A_217 = arith.constant 16 : i32
        %parallel_loop3A_218 = arith.muli %parallel_loop3A_216, %parallel_loop3A_217 : i32
        %parallel_loop3A_219 = tpu.assume_multiple %parallel_loop3A_218, 16 : i32
        %parallel_loop3A_220 = arith.index_cast %parallel_loop3A_219 : i32 to index
        %parallel_loop3A_221 = tpu.vector_load %arg5[%parallel_loop3A_220] {strides = array<i32>} : memref<4096xi32, #tpu.memory_space<vmem>>, vector<16xi32>,
        %parallel_loop3A_222 = arith.constant 0 : i32
        %parallel_loop3A_223 = vector.broadcast %parallel_loop3A_222 : i32 to vector<16xi32>
        %parallel_loop3A_224 = tpu.vector_load_idx %arg7[%parallel_loop3A_223, %parallel_loop3A_221] : memref<2x16384xf32, #tpu.memory_space<vmem>>[vector<16xi32>, vector<16xi32>], vector<16xf32>,
        %parallel_loop3A_225 = arith.constant 0 : i32
        %parallel_loop3A_226 = arith.index_cast %parallel_loop3A_225 : i32 to index
        %parallel_loop3A_227 = arith.index_cast %parallel_loop3A_219 : i32 to index
        %parallel_loop3A_228 = tpu.vector_load %arg10[%parallel_loop3A_226, %parallel_loop3A_227] {strides = array<i32>} : memref<2x4096xf32, #tpu.memory_space<vmem>>, vector<16xf32>,
        tpu.vector_store %arg10[%parallel_loop3A_226, %parallel_loop3A_227], %parallel_loop3A_224 {strides = array<i32>} : memref<2x4096xf32, #tpu.memory_space<vmem>>, vector<16xf32>,
        %parallel_loop3A_229 = arith.constant 1 : i32
        %parallel_loop3A_230 = vector.broadcast %parallel_loop3A_229 : i32 to vector<16xi32>
        %parallel_loop3A_231 = tpu.vector_load_idx %arg7[%parallel_loop3A_230, %parallel_loop3A_221] : memref<2x16384xf32, #tpu.memory_space<vmem>>[vector<16xi32>, vector<16xi32>], vector<16xf32>,
        %parallel_loop3A_232 = arith.constant 1 : i32
        %parallel_loop3A_233 = arith.index_cast %parallel_loop3A_232 : i32 to index
        %parallel_loop3A_234 = arith.index_cast %parallel_loop3A_219 : i32 to index
        %parallel_loop3A_235 = tpu.vector_load %arg10[%parallel_loop3A_233, %parallel_loop3A_234] {strides = array<i32>} : memref<2x4096xf32, #tpu.memory_space<vmem>>, vector<16xf32>,
        tpu.vector_store %arg10[%parallel_loop3A_233, %parallel_loop3A_234], %parallel_loop3A_231 {strides = array<i32>} : memref<2x4096xf32, #tpu.memory_space<vmem>>, vector<16xf32>,
      } {sc.loop_unroll_factor = 8 : i64, sc.parallel_access}
      %dma_start3A_168 = arith.constant 0 : i32
      %dma_start3A_169 = tpu.memref_slice %arg4[%arg1, %add3A_153, %dma_start3A_168] : memref<16x128x4096xf32, #tpu.memory_space<hbm>> -> memref<1x2x4096xf32, #tpu.memory_space<hbm>>
      %dma_start3A_170 = tpu.memref_squeeze %dma_start3A_169 : memref<1x2x4096xf32, #tpu.memory_space<hbm>> -> memref<2x4096xf32, #tpu.memory_space<hbm>>
      %dma_start3A_171 = arith.constant 0 : i32
      %dma_start3A_172 = tpu.memref_slice %arg4[%arg1, %add3A_153, %dma_start3A_171] : memref<16x128x4096xf32, #tpu.memory_space<hbm>> -> memref<1x2x4096xf32, #tpu.memory_space<hbm>>
      %dma_start3A_173 = tpu.memref_squeeze %dma_start3A_172 : memref<1x2x4096xf32, #tpu.memory_space<hbm>> -> memref<2x4096xf32, #tpu.memory_space<hbm>>
      tpu.enqueue_dma source(%arg10 : memref<2x4096xf32, #tpu.memory_space<vmem>>) target(%dma_start3A_173 : memref<2x4096xf32, #tpu.memory_space<hbm>>) target_semaphore(%arg16 : memref<!tpu.dma_semaphore, #tpu.memory_space<semaphore_mem>>)
      %add3A_174 = arith.constant 3 : i32
      %add3A_175 = arith.addi %add3A_150, %add3A_174 : i32
      %lt3A_176 = arith.constant 32 : i32
      %lt3A_177 = arith.cmpi slt, %add3A_175, %lt3A_176 : i32
      %convert_element_type3A_178 = arith.extui %lt3A_177 : i1 to i32
      %cond3A_179 = arith.constant 0 : i32
      %cond3A_180 = arith.cmpi ne, %convert_element_type3A_178, %cond3A_179 : i32
      scf.if %cond3A_180 {
        %add3A_216 = arith.constant 3 : i32
        %add3A_217 = arith.addi %add3A_150, %add3A_216 : i32
        %mul3A_218 = arith.constant 2 : i32
        %mul3A_219 = arith.muli %add3A_217, %mul3A_218 : i32
        %add3A_220 = arith.addi %mul3A_0, %mul3A_219 : i32
        %dma_start3A_221 = arith.constant 0 : i32
        %dma_start3A_222 = tpu.memref_slice %arg2[%arg1, %add3A_220, %dma_start3A_221] : memref<16x128x16384xf32, #tpu.memory_space<hbm>> -> memref<1x2x16384xf32, #tpu.memory_space<hbm>>
        %dma_start3A_223 = tpu.memref_squeeze %dma_start3A_222 : memref<1x2x16384xf32, #tpu.memory_space<hbm>> -> memref<2x16384xf32, #tpu.memory_space<hbm>>
        %dma_start3A_224 = arith.constant 0 : i32
        %dma_start3A_225 = tpu.memref_slice %arg2[%arg1, %add3A_220, %dma_start3A_224] : memref<16x128x16384xf32, #tpu.memory_space<hbm>> -> memref<1x2x16384xf32, #tpu.memory_space<hbm>>
        %dma_start3A_226 = tpu.memref_squeeze %dma_start3A_225 : memref<1x2x16384xf32, #tpu.memory_space<hbm>> -> memref<2x16384xf32, #tpu.memory_space<hbm>>
        tpu.enqueue_dma source(%dma_start3A_226 : memref<2x16384xf32, #tpu.memory_space<hbm>>) target(%arg7 : memref<2x16384xf32, #tpu.memory_space<vmem>>) target_semaphore(%arg13 : memref<!tpu.dma_semaphore, #tpu.memory_space<semaphore_mem>>)
      } else {
      }
      %mul3A_181 = arith.constant 3 : i32
      %mul3A_182 = arith.muli %scan3A_111, %mul3A_181 : i32
      %add3A_183 = arith.constant 2 : i32
      %add3A_184 = arith.addi %mul3A_182, %add3A_183 : i32
      %mul3A_185 = arith.constant 2 : i32
      %mul3A_186 = arith.muli %add3A_184, %mul3A_185 : i32
      %add3A_187 = arith.addi %mul3A_0, %mul3A_186 : i32
      %dma_wait3A_188 = arith.constant 0 : i32
      %dma_wait3A_189 = tpu.memref_slice %arg2[%arg1, %add3A_187, %dma_wait3A_188] : memref<16x128x16384xf32, #tpu.memory_space<hbm>> -> memref<1x2x16384xf32, #tpu.memory_space<hbm>>
      %dma_wait3A_190 = tpu.memref_squeeze %dma_wait3A_189 : memref<1x2x16384xf32, #tpu.memory_space<hbm>> -> memref<2x16384xf32, #tpu.memory_space<hbm>>
      %dma_wait3A_191 = arith.constant 0 : i32
      %dma_wait3A_192 = tpu.memref_slice %arg2[%arg1, %add3A_187, %dma_wait3A_191] : memref<16x128x16384xf32, #tpu.memory_space<hbm>> -> memref<1x2x16384xf32, #tpu.memory_space<hbm>>
      %dma_wait3A_193 = tpu.memref_squeeze %dma_wait3A_192 : memref<1x2x16384xf32, #tpu.memory_space<hbm>> -> memref<2x16384xf32, #tpu.memory_space<hbm>>
      tpu.wait_dma2 semaphore(%arg14 : memref<!tpu.dma_semaphore, #tpu.memory_space<semaphore_mem>>) src(%dma_wait3A_193 : memref<2x16384xf32, #tpu.memory_space<hbm>>) dst(%arg8 : memref<2x16384xf32, #tpu.memory_space<vmem>>)
      %gt3A_194 = arith.constant 0 : i32
      %gt3A_195 = arith.cmpi sgt, %scan3A_111, %gt3A_194 : i32
      %convert_element_type3A_196 = arith.extui %gt3A_195 : i1 to i32
      %cond3A_197 = arith.constant 0 : i32
      %cond3A_198 = arith.cmpi ne, %convert_element_type3A_196, %cond3A_197 : i32
      scf.if %cond3A_198 {
        %sub3A = arith.constant 6 : i32
        %sub3A_216 = arith.subi %add3A_187, %sub3A : i32
        %dma_wait3A_217 = arith.constant 0 : i32
        %dma_wait3A_218 = tpu.memref_slice %arg4[%arg1, %sub3A_216, %dma_wait3A_217] : memref<16x128x4096xf32, #tpu.memory_space<hbm>> -> memref<1x2x4096xf32, #tpu.memory_space<hbm>>
        %dma_wait3A_219 = tpu.memref_squeeze %dma_wait3A_218 : memref<1x2x4096xf32, #tpu.memory_space<hbm>> -> memref<2x4096xf32, #tpu.memory_space<hbm>>
        %dma_wait3A_220 = arith.constant 0 : i32
        %dma_wait3A_221 = tpu.memref_slice %arg4[%arg1, %sub3A_216, %dma_wait3A_220] : memref<16x128x4096xf32, #tpu.memory_space<hbm>> -> memref<1x2x4096xf32, #tpu.memory_space<hbm>>
        %dma_wait3A_222 = tpu.memref_squeeze %dma_wait3A_221 : memref<1x2x4096xf32, #tpu.memory_space<hbm>> -> memref<2x4096xf32, #tpu.memory_space<hbm>>
        tpu.wait_dma2 semaphore(%arg17 : memref<!tpu.dma_semaphore, #tpu.memory_space<semaphore_mem>>) src(%arg11 : memref<2x4096xf32, #tpu.memory_space<vmem>>) dst(%dma_wait3A_222 : memref<2x4096xf32, #tpu.memory_space<hbm>>)
      } else {
      }
      %parallel_loop3A_199 = arith.constant 0 : i32
      %parallel_loop3A_200 = arith.constant 256 : i32
      %parallel_loop3A_201 = arith.constant 1 : i32
      scf.for %parallel_loop3A_216 = %parallel_loop3A_199 to %parallel_loop3A_200 step %parallel_loop3A_201  : i32 {
        %parallel_loop3A_217 = arith.constant 16 : i32
        %parallel_loop3A_218 = arith.muli %parallel_loop3A_216, %parallel_loop3A_217 : i32
        %parallel_loop3A_219 = tpu.assume_multiple %parallel_loop3A_218, 16 : i32
        %parallel_loop3A_220 = arith.index_cast %parallel_loop3A_219 : i32 to index
        %parallel_loop3A_221 = tpu.vector_load %arg5[%parallel_loop3A_220] {strides = array<i32>} : memref<4096xi32, #tpu.memory_space<vmem>>, vector<16xi32>,
        %parallel_loop3A_222 = arith.constant 0 : i32
        %parallel_loop3A_223 = vector.broadcast %parallel_loop3A_222 : i32 to vector<16xi32>
        %parallel_loop3A_224 = tpu.vector_load_idx %arg8[%parallel_loop3A_223, %parallel_loop3A_221] : memref<2x16384xf32, #tpu.memory_space<vmem>>[vector<16xi32>, vector<16xi32>], vector<16xf32>,
        %parallel_loop3A_225 = arith.constant 0 : i32
        %parallel_loop3A_226 = arith.index_cast %parallel_loop3A_225 : i32 to index
        %parallel_loop3A_227 = arith.index_cast %parallel_loop3A_219 : i32 to index
        %parallel_loop3A_228 = tpu.vector_load %arg11[%parallel_loop3A_226, %parallel_loop3A_227] {strides = array<i32>} : memref<2x4096xf32, #tpu.memory_space<vmem>>, vector<16xf32>,
        tpu.vector_store %arg11[%parallel_loop3A_226, %parallel_loop3A_227], %parallel_loop3A_224 {strides = array<i32>} : memref<2x4096xf32, #tpu.memory_space<vmem>>, vector<16xf32>,
        %parallel_loop3A_229 = arith.constant 1 : i32
        %parallel_loop3A_230 = vector.broadcast %parallel_loop3A_229 : i32 to vector<16xi32>
        %parallel_loop3A_231 = tpu.vector_load_idx %arg8[%parallel_loop3A_230, %parallel_loop3A_221] : memref<2x16384xf32, #tpu.memory_space<vmem>>[vector<16xi32>, vector<16xi32>], vector<16xf32>,
        %parallel_loop3A_232 = arith.constant 1 : i32
        %parallel_loop3A_233 = arith.index_cast %parallel_loop3A_232 : i32 to index
        %parallel_loop3A_234 = arith.index_cast %parallel_loop3A_219 : i32 to index
        %parallel_loop3A_235 = tpu.vector_load %arg11[%parallel_loop3A_233, %parallel_loop3A_234] {strides = array<i32>} : memref<2x4096xf32, #tpu.memory_space<vmem>>, vector<16xf32>,
        tpu.vector_store %arg11[%parallel_loop3A_233, %parallel_loop3A_234], %parallel_loop3A_231 {strides = array<i32>} : memref<2x4096xf32, #tpu.memory_space<vmem>>, vector<16xf32>,
      } {sc.loop_unroll_factor = 8 : i64, sc.parallel_access}
      %dma_start3A_202 = arith.constant 0 : i32
      %dma_start3A_203 = tpu.memref_slice %arg4[%arg1, %add3A_187, %dma_start3A_202] : memref<16x128x4096xf32, #tpu.memory_space<hbm>> -> memref<1x2x4096xf32, #tpu.memory_space<hbm>>
      %dma_start3A_204 = tpu.memref_squeeze %dma_start3A_203 : memref<1x2x4096xf32, #tpu.memory_space<hbm>> -> memref<2x4096xf32, #tpu.memory_space<hbm>>
      %dma_start3A_205 = arith.constant 0 : i32
      %dma_start3A_206 = tpu.memref_slice %arg4[%arg1, %add3A_187, %dma_start3A_205] : memref<16x128x4096xf32, #tpu.memory_space<hbm>> -> memref<1x2x4096xf32, #tpu.memory_space<hbm>>
      %dma_start3A_207 = tpu.memref_squeeze %dma_start3A_206 : memref<1x2x4096xf32, #tpu.memory_space<hbm>> -> memref<2x4096xf32, #tpu.memory_space<hbm>>
      tpu.enqueue_dma source(%arg11 : memref<2x4096xf32, #tpu.memory_space<vmem>>) target(%dma_start3A_207 : memref<2x4096xf32, #tpu.memory_space<hbm>>) target_semaphore(%arg17 : memref<!tpu.dma_semaphore, #tpu.memory_space<semaphore_mem>>)
      %add3A_208 = arith.constant 3 : i32
      %add3A_209 = arith.addi %add3A_184, %add3A_208 : i32
      %lt3A_210 = arith.constant 32 : i32
      %lt3A_211 = arith.cmpi slt, %add3A_209, %lt3A_210 : i32
      %convert_element_type3A_212 = arith.extui %lt3A_211 : i1 to i32
      %cond3A_213 = arith.constant 0 : i32
      %cond3A_214 = arith.cmpi ne, %convert_element_type3A_212, %cond3A_213 : i32
      scf.if %cond3A_214 {
        %add3A_216 = arith.constant 3 : i32
        %add3A_217 = arith.addi %add3A_184, %add3A_216 : i32
        %mul3A_218 = arith.constant 2 : i32
        %mul3A_219 = arith.muli %add3A_217, %mul3A_218 : i32
        %add3A_220 = arith.addi %mul3A_0, %mul3A_219 : i32
        %dma_start3A_221 = arith.constant 0 : i32
        %dma_start3A_222 = tpu.memref_slice %arg2[%arg1, %add3A_220, %dma_start3A_221] : memref<16x128x16384xf32, #tpu.memory_space<hbm>> -> memref<1x2x16384xf32, #tpu.memory_space<hbm>>
        %dma_start3A_223 = tpu.memref_squeeze %dma_start3A_222 : memref<1x2x16384xf32, #tpu.memory_space<hbm>> -> memref<2x16384xf32, #tpu.memory_space<hbm>>
        %dma_start3A_224 = arith.constant 0 : i32
        %dma_start3A_225 = tpu.memref_slice %arg2[%arg1, %add3A_220, %dma_start3A_224] : memref<16x128x16384xf32, #tpu.memory_space<hbm>> -> memref<1x2x16384xf32, #tpu.memory_space<hbm>>
        %dma_start3A_226 = tpu.memref_squeeze %dma_start3A_225 : memref<1x2x16384xf32, #tpu.memory_space<hbm>> -> memref<2x16384xf32, #tpu.memory_space<hbm>>
        tpu.enqueue_dma source(%dma_start3A_226 : memref<2x16384xf32, #tpu.memory_space<hbm>>) target(%arg8 : memref<2x16384xf32, #tpu.memory_space<vmem>>) target_semaphore(%arg14 : memref<!tpu.dma_semaphore, #tpu.memory_space<semaphore_mem>>)
      } else {
      }
      %scan3A_215 = arith.constant 0 : i32
      scf.yield %scan3A_215 : i32
    }
    %scan3A_30 = arith.constant 10 : i32
    %mul3A_31 = arith.constant 30 : i32
    %mul3A_32 = arith.constant 2 : i32
    %mul3A_33 = arith.muli %mul3A_31, %mul3A_32 : i32
    %add3A_34 = arith.addi %mul3A_0, %mul3A_33 : i32
    %dma_wait3A = arith.constant 0 : i32
    %dma_wait3A_35 = tpu.memref_slice %arg2[%arg1, %add3A_34, %dma_wait3A] : memref<16x128x16384xf32, #tpu.memory_space<hbm>> -> memref<1x2x16384xf32, #tpu.memory_space<hbm>>
    %dma_wait3A_36 = tpu.memref_squeeze %dma_wait3A_35 : memref<1x2x16384xf32, #tpu.memory_space<hbm>> -> memref<2x16384xf32, #tpu.memory_space<hbm>>
    %dma_wait3A_37 = arith.constant 0 : i32
    %dma_wait3A_38 = tpu.memref_slice %arg2[%arg1, %add3A_34, %dma_wait3A_37] : memref<16x128x16384xf32, #tpu.memory_space<hbm>> -> memref<1x2x16384xf32, #tpu.memory_space<hbm>>
    %dma_wait3A_39 = tpu.memref_squeeze %dma_wait3A_38 : memref<1x2x16384xf32, #tpu.memory_space<hbm>> -> memref<2x16384xf32, #tpu.memory_space<hbm>>
    tpu.wait_dma2 semaphore(%arg12 : memref<!tpu.dma_semaphore, #tpu.memory_space<semaphore_mem>>) src(%dma_wait3A_39 : memref<2x16384xf32, #tpu.memory_space<hbm>>) dst(%arg6 : memref<2x16384xf32, #tpu.memory_space<vmem>>)
    %gt3A = arith.constant 1 : i32
    %gt3A_40 = arith.constant 0 : i32
    %gt3A_41 = arith.cmpi sgt, %gt3A, %gt3A_40 : i32
    %convert_element_type3A = arith.extui %gt3A_41 : i1 to i32
    %cond3A = arith.constant 0 : i32
    %cond3A_42 = arith.cmpi ne, %convert_element_type3A, %cond3A : i32
    scf.if %cond3A_42 {
      %sub3A = arith.constant 6 : i32
      %sub3A_111 = arith.subi %add3A_34, %sub3A : i32
      %dma_wait3A_112 = arith.constant 0 : i32
      %dma_wait3A_113 = tpu.memref_slice %arg4[%arg1, %sub3A_111, %dma_wait3A_112] : memref<16x128x4096xf32, #tpu.memory_space<hbm>> -> memref<1x2x4096xf32, #tpu.memory_space<hbm>>
      %dma_wait3A_114 = tpu.memref_squeeze %dma_wait3A_113 : memref<1x2x4096xf32, #tpu.memory_space<hbm>> -> memref<2x4096xf32, #tpu.memory_space<hbm>>
      %dma_wait3A_115 = arith.constant 0 : i32
      %dma_wait3A_116 = tpu.memref_slice %arg4[%arg1, %sub3A_111, %dma_wait3A_115] : memref<16x128x4096xf32, #tpu.memory_space<hbm>> -> memref<1x2x4096xf32, #tpu.memory_space<hbm>>
      %dma_wait3A_117 = tpu.memref_squeeze %dma_wait3A_116 : memref<1x2x4096xf32, #tpu.memory_space<hbm>> -> memref<2x4096xf32, #tpu.memory_space<hbm>>
      tpu.wait_dma2 semaphore(%arg15 : memref<!tpu.dma_semaphore, #tpu.memory_space<semaphore_mem>>) src(%arg9 : memref<2x4096xf32, #tpu.memory_space<vmem>>) dst(%dma_wait3A_117 : memref<2x4096xf32, #tpu.memory_space<hbm>>)
    } else {
    }
    %parallel_loop3A = arith.constant 0 : i32
    %parallel_loop3A_43 = arith.constant 256 : i32
    %parallel_loop3A_44 = arith.constant 1 : i32
    scf.for %parallel_loop3A_111 = %parallel_loop3A to %parallel_loop3A_43 step %parallel_loop3A_44  : i32 {
      %parallel_loop3A_112 = arith.constant 16 : i32
      %parallel_loop3A_113 = arith.muli %parallel_loop3A_111, %parallel_loop3A_112 : i32
      %parallel_loop3A_114 = tpu.assume_multiple %parallel_loop3A_113, 16 : i32
      %parallel_loop3A_115 = arith.index_cast %parallel_loop3A_114 : i32 to index
      %parallel_loop3A_116 = tpu.vector_load %arg5[%parallel_loop3A_115] {strides = array<i32>} : memref<4096xi32, #tpu.memory_space<vmem>>, vector<16xi32>,
      %parallel_loop3A_117 = arith.constant 0 : i32
      %parallel_loop3A_118 = vector.broadcast %parallel_loop3A_117 : i32 to vector<16xi32>
      %parallel_loop3A_119 = tpu.vector_load_idx %arg6[%parallel_loop3A_118, %parallel_loop3A_116] : memref<2x16384xf32, #tpu.memory_space<vmem>>[vector<16xi32>, vector<16xi32>], vector<16xf32>,
      %parallel_loop3A_120 = arith.constant 0 : i32
      %parallel_loop3A_121 = arith.index_cast %parallel_loop3A_120 : i32 to index
      %parallel_loop3A_122 = arith.index_cast %parallel_loop3A_114 : i32 to index
      %parallel_loop3A_123 = tpu.vector_load %arg9[%parallel_loop3A_121, %parallel_loop3A_122] {strides = array<i32>} : memref<2x4096xf32, #tpu.memory_space<vmem>>, vector<16xf32>,
      tpu.vector_store %arg9[%parallel_loop3A_121, %parallel_loop3A_122], %parallel_loop3A_119 {strides = array<i32>} : memref<2x4096xf32, #tpu.memory_space<vmem>>, vector<16xf32>,
      %parallel_loop3A_124 = arith.constant 1 : i32
      %parallel_loop3A_125 = vector.broadcast %parallel_loop3A_124 : i32 to vector<16xi32>
      %parallel_loop3A_126 = tpu.vector_load_idx %arg6[%parallel_loop3A_125, %parallel_loop3A_116] : memref<2x16384xf32, #tpu.memory_space<vmem>>[vector<16xi32>, vector<16xi32>], vector<16xf32>,
      %parallel_loop3A_127 = arith.constant 1 : i32
      %parallel_loop3A_128 = arith.index_cast %parallel_loop3A_127 : i32 to index
      %parallel_loop3A_129 = arith.index_cast %parallel_loop3A_114 : i32 to index
      %parallel_loop3A_130 = tpu.vector_load %arg9[%parallel_loop3A_128, %parallel_loop3A_129] {strides = array<i32>} : memref<2x4096xf32, #tpu.memory_space<vmem>>, vector<16xf32>,
      tpu.vector_store %arg9[%parallel_loop3A_128, %parallel_loop3A_129], %parallel_loop3A_126 {strides = array<i32>} : memref<2x4096xf32, #tpu.memory_space<vmem>>, vector<16xf32>,
    } {sc.loop_unroll_factor = 8 : i64, sc.parallel_access}
    %dma_start3A_45 = arith.constant 0 : i32
    %dma_start3A_46 = tpu.memref_slice %arg4[%arg1, %add3A_34, %dma_start3A_45] : memref<16x128x4096xf32, #tpu.memory_space<hbm>> -> memref<1x2x4096xf32, #tpu.memory_space<hbm>>
    %dma_start3A_47 = tpu.memref_squeeze %dma_start3A_46 : memref<1x2x4096xf32, #tpu.memory_space<hbm>> -> memref<2x4096xf32, #tpu.memory_space<hbm>>
    %dma_start3A_48 = arith.constant 0 : i32
    %dma_start3A_49 = tpu.memref_slice %arg4[%arg1, %add3A_34, %dma_start3A_48] : memref<16x128x4096xf32, #tpu.memory_space<hbm>> -> memref<1x2x4096xf32, #tpu.memory_space<hbm>>
    %dma_start3A_50 = tpu.memref_squeeze %dma_start3A_49 : memref<1x2x4096xf32, #tpu.memory_space<hbm>> -> memref<2x4096xf32, #tpu.memory_space<hbm>>
    tpu.enqueue_dma source(%arg9 : memref<2x4096xf32, #tpu.memory_space<vmem>>) target(%dma_start3A_50 : memref<2x4096xf32, #tpu.memory_space<hbm>>) target_semaphore(%arg15 : memref<!tpu.dma_semaphore, #tpu.memory_space<semaphore_mem>>)
    %add3A_51 = arith.constant 30 : i32
    %add3A_52 = arith.constant 3 : i32
    %add3A_53 = arith.addi %add3A_51, %add3A_52 : i32
    %lt3A = arith.constant 32 : i32
    %lt3A_54 = arith.cmpi slt, %add3A_53, %lt3A : i32
    %convert_element_type3A_55 = arith.extui %lt3A_54 : i1 to i32
    %cond3A_56 = arith.constant 30 : i32
    %cond3A_57 = arith.constant 0 : i32
    %cond3A_58 = arith.cmpi ne, %convert_element_type3A_55, %cond3A_57 : i32
    scf.if %cond3A_58 {
      %add3A_111 = arith.constant 3 : i32
      %add3A_112 = arith.addi %cond3A_56, %add3A_111 : i32
      %mul3A_113 = arith.constant 2 : i32
      %mul3A_114 = arith.muli %add3A_112, %mul3A_113 : i32
      %add3A_115 = arith.addi %mul3A_0, %mul3A_114 : i32
      %dma_start3A_116 = arith.constant 0 : i32
      %dma_start3A_117 = tpu.memref_slice %arg2[%arg1, %add3A_115, %dma_start3A_116] : memref<16x128x16384xf32, #tpu.memory_space<hbm>> -> memref<1x2x16384xf32, #tpu.memory_space<hbm>>
      %dma_start3A_118 = tpu.memref_squeeze %dma_start3A_117 : memref<1x2x16384xf32, #tpu.memory_space<hbm>> -> memref<2x16384xf32, #tpu.memory_space<hbm>>
      %dma_start3A_119 = arith.constant 0 : i32
      %dma_start3A_120 = tpu.memref_slice %arg2[%arg1, %add3A_115, %dma_start3A_119] : memref<16x128x16384xf32, #tpu.memory_space<hbm>> -> memref<1x2x16384xf32, #tpu.memory_space<hbm>>
      %dma_start3A_121 = tpu.memref_squeeze %dma_start3A_120 : memref<1x2x16384xf32, #tpu.memory_space<hbm>> -> memref<2x16384xf32, #tpu.memory_space<hbm>>
      tpu.enqueue_dma source(%dma_start3A_121 : memref<2x16384xf32, #tpu.memory_space<hbm>>) target(%arg6 : memref<2x16384xf32, #tpu.memory_space<vmem>>) target_semaphore(%arg12 : memref<!tpu.dma_semaphore, #tpu.memory_space<semaphore_mem>>)
    } else {
    }
    %mul3A_59 = arith.constant 31 : i32
    %mul3A_60 = arith.constant 2 : i32
    %mul3A_61 = arith.muli %mul3A_59, %mul3A_60 : i32
    %add3A_62 = arith.addi %mul3A_0, %mul3A_61 : i32
    %dma_wait3A_63 = arith.constant 0 : i32
    %dma_wait3A_64 = tpu.memref_slice %arg2[%arg1, %add3A_62, %dma_wait3A_63] : memref<16x128x16384xf32, #tpu.memory_space<hbm>> -> memref<1x2x16384xf32, #tpu.memory_space<hbm>>
    %dma_wait3A_65 = tpu.memref_squeeze %dma_wait3A_64 : memref<1x2x16384xf32, #tpu.memory_space<hbm>> -> memref<2x16384xf32, #tpu.memory_space<hbm>>
    %dma_wait3A_66 = arith.constant 0 : i32
    %dma_wait3A_67 = tpu.memref_slice %arg2[%arg1, %add3A_62, %dma_wait3A_66] : memref<16x128x16384xf32, #tpu.memory_space<hbm>> -> memref<1x2x16384xf32, #tpu.memory_space<hbm>>
    %dma_wait3A_68 = tpu.memref_squeeze %dma_wait3A_67 : memref<1x2x16384xf32, #tpu.memory_space<hbm>> -> memref<2x16384xf32, #tpu.memory_space<hbm>>
    tpu.wait_dma2 semaphore(%arg13 : memref<!tpu.dma_semaphore, #tpu.memory_space<semaphore_mem>>) src(%dma_wait3A_68 : memref<2x16384xf32, #tpu.memory_space<hbm>>) dst(%arg7 : memref<2x16384xf32, #tpu.memory_space<vmem>>)
    %gt3A_69 = arith.constant 1 : i32
    %gt3A_70 = arith.constant 0 : i32
    %gt3A_71 = arith.cmpi sgt, %gt3A_69, %gt3A_70 : i32
    %convert_element_type3A_72 = arith.extui %gt3A_71 : i1 to i32
    %cond3A_73 = arith.constant 0 : i32
    %cond3A_74 = arith.cmpi ne, %convert_element_type3A_72, %cond3A_73 : i32
    scf.if %cond3A_74 {
      %sub3A = arith.constant 6 : i32
      %sub3A_111 = arith.subi %add3A_62, %sub3A : i32
      %dma_wait3A_112 = arith.constant 0 : i32
      %dma_wait3A_113 = tpu.memref_slice %arg4[%arg1, %sub3A_111, %dma_wait3A_112] : memref<16x128x4096xf32, #tpu.memory_space<hbm>> -> memref<1x2x4096xf32, #tpu.memory_space<hbm>>
      %dma_wait3A_114 = tpu.memref_squeeze %dma_wait3A_113 : memref<1x2x4096xf32, #tpu.memory_space<hbm>> -> memref<2x4096xf32, #tpu.memory_space<hbm>>
      %dma_wait3A_115 = arith.constant 0 : i32
      %dma_wait3A_116 = tpu.memref_slice %arg4[%arg1, %sub3A_111, %dma_wait3A_115] : memref<16x128x4096xf32, #tpu.memory_space<hbm>> -> memref<1x2x4096xf32, #tpu.memory_space<hbm>>
      %dma_wait3A_117 = tpu.memref_squeeze %dma_wait3A_116 : memref<1x2x4096xf32, #tpu.memory_space<hbm>> -> memref<2x4096xf32, #tpu.memory_space<hbm>>
      tpu.wait_dma2 semaphore(%arg16 : memref<!tpu.dma_semaphore, #tpu.memory_space<semaphore_mem>>) src(%arg10 : memref<2x4096xf32, #tpu.memory_space<vmem>>) dst(%dma_wait3A_117 : memref<2x4096xf32, #tpu.memory_space<hbm>>)
    } else {
    }
    %parallel_loop3A_75 = arith.constant 0 : i32
    %parallel_loop3A_76 = arith.constant 256 : i32
    %parallel_loop3A_77 = arith.constant 1 : i32
    scf.for %parallel_loop3A_111 = %parallel_loop3A_75 to %parallel_loop3A_76 step %parallel_loop3A_77  : i32 {
      %parallel_loop3A_112 = arith.constant 16 : i32
      %parallel_loop3A_113 = arith.muli %parallel_loop3A_111, %parallel_loop3A_112 : i32
      %parallel_loop3A_114 = tpu.assume_multiple %parallel_loop3A_113, 16 : i32
      %parallel_loop3A_115 = arith.index_cast %parallel_loop3A_114 : i32 to index
      %parallel_loop3A_116 = tpu.vector_load %arg5[%parallel_loop3A_115] {strides = array<i32>} : memref<4096xi32, #tpu.memory_space<vmem>>, vector<16xi32>,
      %parallel_loop3A_117 = arith.constant 0 : i32
      %parallel_loop3A_118 = vector.broadcast %parallel_loop3A_117 : i32 to vector<16xi32>
      %parallel_loop3A_119 = tpu.vector_load_idx %arg7[%parallel_loop3A_118, %parallel_loop3A_116] : memref<2x16384xf32, #tpu.memory_space<vmem>>[vector<16xi32>, vector<16xi32>], vector<16xf32>,
      %parallel_loop3A_120 = arith.constant 0 : i32
      %parallel_loop3A_121 = arith.index_cast %parallel_loop3A_120 : i32 to index
      %parallel_loop3A_122 = arith.index_cast %parallel_loop3A_114 : i32 to index
      %parallel_loop3A_123 = tpu.vector_load %arg10[%parallel_loop3A_121, %parallel_loop3A_122] {strides = array<i32>} : memref<2x4096xf32, #tpu.memory_space<vmem>>, vector<16xf32>,
      tpu.vector_store %arg10[%parallel_loop3A_121, %parallel_loop3A_122], %parallel_loop3A_119 {strides = array<i32>} : memref<2x4096xf32, #tpu.memory_space<vmem>>, vector<16xf32>,
      %parallel_loop3A_124 = arith.constant 1 : i32
      %parallel_loop3A_125 = vector.broadcast %parallel_loop3A_124 : i32 to vector<16xi32>
      %parallel_loop3A_126 = tpu.vector_load_idx %arg7[%parallel_loop3A_125, %parallel_loop3A_116] : memref<2x16384xf32, #tpu.memory_space<vmem>>[vector<16xi32>, vector<16xi32>], vector<16xf32>,
      %parallel_loop3A_127 = arith.constant 1 : i32
      %parallel_loop3A_128 = arith.index_cast %parallel_loop3A_127 : i32 to index
      %parallel_loop3A_129 = arith.index_cast %parallel_loop3A_114 : i32 to index
      %parallel_loop3A_130 = tpu.vector_load %arg10[%parallel_loop3A_128, %parallel_loop3A_129] {strides = array<i32>} : memref<2x4096xf32, #tpu.memory_space<vmem>>, vector<16xf32>,
      tpu.vector_store %arg10[%parallel_loop3A_128, %parallel_loop3A_129], %parallel_loop3A_126 {strides = array<i32>} : memref<2x4096xf32, #tpu.memory_space<vmem>>, vector<16xf32>,
    } {sc.loop_unroll_factor = 8 : i64, sc.parallel_access}
    %dma_start3A_78 = arith.constant 0 : i32
    %dma_start3A_79 = tpu.memref_slice %arg4[%arg1, %add3A_62, %dma_start3A_78] : memref<16x128x4096xf32, #tpu.memory_space<hbm>> -> memref<1x2x4096xf32, #tpu.memory_space<hbm>>
    %dma_start3A_80 = tpu.memref_squeeze %dma_start3A_79 : memref<1x2x4096xf32, #tpu.memory_space<hbm>> -> memref<2x4096xf32, #tpu.memory_space<hbm>>
    %dma_start3A_81 = arith.constant 0 : i32
    %dma_start3A_82 = tpu.memref_slice %arg4[%arg1, %add3A_62, %dma_start3A_81] : memref<16x128x4096xf32, #tpu.memory_space<hbm>> -> memref<1x2x4096xf32, #tpu.memory_space<hbm>>
    %dma_start3A_83 = tpu.memref_squeeze %dma_start3A_82 : memref<1x2x4096xf32, #tpu.memory_space<hbm>> -> memref<2x4096xf32, #tpu.memory_space<hbm>>
    tpu.enqueue_dma source(%arg10 : memref<2x4096xf32, #tpu.memory_space<vmem>>) target(%dma_start3A_83 : memref<2x4096xf32, #tpu.memory_space<hbm>>) target_semaphore(%arg16 : memref<!tpu.dma_semaphore, #tpu.memory_space<semaphore_mem>>)
    %add3A_84 = arith.constant 31 : i32
    %add3A_85 = arith.constant 3 : i32
    %add3A_86 = arith.addi %add3A_84, %add3A_85 : i32
    %lt3A_87 = arith.constant 32 : i32
    %lt3A_88 = arith.cmpi slt, %add3A_86, %lt3A_87 : i32
    %convert_element_type3A_89 = arith.extui %lt3A_88 : i1 to i32
    %cond3A_90 = arith.constant 31 : i32
    %cond3A_91 = arith.constant 0 : i32
    %cond3A_92 = arith.cmpi ne, %convert_element_type3A_89, %cond3A_91 : i32
    scf.if %cond3A_92 {
      %add3A_111 = arith.constant 3 : i32
      %add3A_112 = arith.addi %cond3A_90, %add3A_111 : i32
      %mul3A_113 = arith.constant 2 : i32
      %mul3A_114 = arith.muli %add3A_112, %mul3A_113 : i32
      %add3A_115 = arith.addi %mul3A_0, %mul3A_114 : i32
      %dma_start3A_116 = arith.constant 0 : i32
      %dma_start3A_117 = tpu.memref_slice %arg2[%arg1, %add3A_115, %dma_start3A_116] : memref<16x128x16384xf32, #tpu.memory_space<hbm>> -> memref<1x2x16384xf32, #tpu.memory_space<hbm>>
      %dma_start3A_118 = tpu.memref_squeeze %dma_start3A_117 : memref<1x2x16384xf32, #tpu.memory_space<hbm>> -> memref<2x16384xf32, #tpu.memory_space<hbm>>
      %dma_start3A_119 = arith.constant 0 : i32
      %dma_start3A_120 = tpu.memref_slice %arg2[%arg1, %add3A_115, %dma_start3A_119] : memref<16x128x16384xf32, #tpu.memory_space<hbm>> -> memref<1x2x16384xf32, #tpu.memory_space<hbm>>
      %dma_start3A_121 = tpu.memref_squeeze %dma_start3A_120 : memref<1x2x16384xf32, #tpu.memory_space<hbm>> -> memref<2x16384xf32, #tpu.memory_space<hbm>>
      tpu.enqueue_dma source(%dma_start3A_121 : memref<2x16384xf32, #tpu.memory_space<hbm>>) target(%arg7 : memref<2x16384xf32, #tpu.memory_space<vmem>>) target_semaphore(%arg13 : memref<!tpu.dma_semaphore, #tpu.memory_space<semaphore_mem>>)
    } else {
    }
    %dma_wait3A_93 = arith.constant 0 : i32
    %dma_wait3A_94 = tpu.memref_slice %arg4[%arg1, %mul3A_0, %dma_wait3A_93] : memref<16x128x4096xf32, #tpu.memory_space<hbm>> -> memref<1x2x4096xf32, #tpu.memory_space<hbm>>
    %dma_wait3A_95 = tpu.memref_squeeze %dma_wait3A_94 : memref<1x2x4096xf32, #tpu.memory_space<hbm>> -> memref<2x4096xf32, #tpu.memory_space<hbm>>
    %dma_wait3A_96 = arith.constant 0 : i32
    %dma_wait3A_97 = tpu.memref_slice %arg4[%arg1, %mul3A_0, %dma_wait3A_96] : memref<16x128x4096xf32, #tpu.memory_space<hbm>> -> memref<1x2x4096xf32, #tpu.memory_space<hbm>>
    %dma_wait3A_98 = tpu.memref_squeeze %dma_wait3A_97 : memref<1x2x4096xf32, #tpu.memory_space<hbm>> -> memref<2x4096xf32, #tpu.memory_space<hbm>>
    tpu.wait_dma2 semaphore(%arg15 : memref<!tpu.dma_semaphore, #tpu.memory_space<semaphore_mem>>) src(%arg9 : memref<2x4096xf32, #tpu.memory_space<vmem>>) dst(%dma_wait3A_98 : memref<2x4096xf32, #tpu.memory_space<hbm>>)
    %dma_wait3A_99 = arith.constant 0 : i32
    %dma_wait3A_100 = tpu.memref_slice %arg4[%arg1, %mul3A_0, %dma_wait3A_99] : memref<16x128x4096xf32, #tpu.memory_space<hbm>> -> memref<1x2x4096xf32, #tpu.memory_space<hbm>>
    %dma_wait3A_101 = tpu.memref_squeeze %dma_wait3A_100 : memref<1x2x4096xf32, #tpu.memory_space<hbm>> -> memref<2x4096xf32, #tpu.memory_space<hbm>>
    %dma_wait3A_102 = arith.constant 0 : i32
    %dma_wait3A_103 = tpu.memref_slice %arg4[%arg1, %mul3A_0, %dma_wait3A_102] : memref<16x128x4096xf32, #tpu.memory_space<hbm>> -> memref<1x2x4096xf32, #tpu.memory_space<hbm>>
    %dma_wait3A_104 = tpu.memref_squeeze %dma_wait3A_103 : memref<1x2x4096xf32, #tpu.memory_space<hbm>> -> memref<2x4096xf32, #tpu.memory_space<hbm>>
    tpu.wait_dma2 semaphore(%arg16 : memref<!tpu.dma_semaphore, #tpu.memory_space<semaphore_mem>>) src(%arg10 : memref<2x4096xf32, #tpu.memory_space<vmem>>) dst(%dma_wait3A_104 : memref<2x4096xf32, #tpu.memory_space<hbm>>)
    %dma_wait3A_105 = arith.constant 0 : i32
    %dma_wait3A_106 = tpu.memref_slice %arg4[%arg1, %mul3A_0, %dma_wait3A_105] : memref<16x128x4096xf32, #tpu.memory_space<hbm>> -> memref<1x2x4096xf32, #tpu.memory_space<hbm>>
    %dma_wait3A_107 = tpu.memref_squeeze %dma_wait3A_106 : memref<1x2x4096xf32, #tpu.memory_space<hbm>> -> memref<2x4096xf32, #tpu.memory_space<hbm>>
    %dma_wait3A_108 = arith.constant 0 : i32
    %dma_wait3A_109 = tpu.memref_slice %arg4[%arg1, %mul3A_0, %dma_wait3A_108] : memref<16x128x4096xf32, #tpu.memory_space<hbm>> -> memref<1x2x4096xf32, #tpu.memory_space<hbm>>
    %dma_wait3A_110 = tpu.memref_squeeze %dma_wait3A_109 : memref<1x2x4096xf32, #tpu.memory_space<hbm>> -> memref<2x4096xf32, #tpu.memory_space<hbm>>
    tpu.wait_dma2 semaphore(%arg17 : memref<!tpu.dma_semaphore, #tpu.memory_space<semaphore_mem>>) src(%arg11 : memref<2x4096xf32, #tpu.memory_space<vmem>>) dst(%dma_wait3A_110 : memref<2x4096xf32, #tpu.memory_space<hbm>>)
    return
  }
}

</mosaic_0001>

<sc_bundles>
// kernel: _run.3.cloned.1.call-start
scs
__scs_entry_jumppad:
0x0: {  	(pc) =	sbr.rel $0x88, $3  }
0x1: {  	(tag) =	ssettag $0x0;
	lr =	simm.s32 $0x1  }
0x2: {  	[smem:$0x3F9F] =	sst lr;
	_ =	strace $0xD0000000  }
0x3: {  	_ = 	snop  }
0x4: {  	_ = 	snop  }
0x5: {  	_ = 	snop  }
0x6: {  	_ = 	snop  }
0x7: {  	_ = 	snop  }
__scs_overlays_trampoline_lowered:
0x8: {  	[smem:$0x3FAE] =	sst s0  }
0x9: {  	[smem:$0x3FAF] =	sst s1  }
0xa: {  	[smem:$0x3FB0] =	sst s2  }
0xb: {  	[smem:$0x3FB1] =	sst s3  }
0xc: {  	[smem:$0x3FB2] =	sst s4  }
0xd: {  	[smem:$0x3FB3] =	sst s5  }
0xe: {  	[smem:$0x3FB4] =	sst s6  }
0xf: {  	[smem:$0x3FB5] =	sst s7  }
0x10: {  	[smem:$0x3FB6] =	sst s8  }
0x11: {  	[smem:$0x3FB7] =	sst s9;
	s0 =	simm.s32 @!p0 $0x0  }
0x12: {  	s1 =	sld [smem:$0x3F9D];
	s0 =	simm.s32 @p0 $0x1  }
0x13: {  	[smem:$0x3FB8] =	sst s0;
	s0 =	simm.s32 @!p1 $0x0  }
0x14: {  	s2 =	sld [smem:$0x3F9C];
	s0 =	simm.s32 @p1 $0x1  }
0x15: {  	[smem:$0x3FB9] =	sst s0;
	s0 =	simm.s32 @!p2 $0x0  }
0x16: {  	s3 =	sld [smem:$0x3FDB];
	s0 =	simm.s32 @p2 $0x1  }
0x17: {  	s4 =	simm.s32 $0x1BF5;
	[smem:$0x3FBB] =	sst s0  }
0x18: {  	s0 =	sld [smem:$0x3F9E];
	_ =	swait.ge [sflag:s4], $0x0  }
0x19: {  	s7 =	sld [smem:$0x3F9F]  }
0x1a: {  	s8 =	sadd.s32 $0xFFFFE003, lr  }
0x1b: {  	s9 =	sadd.s32 $0xFFFFFEF7, lr;
	s5 =	simm.s32 $0xFFFFFFFF;
	p2 =	slt.u32 s8, $0xFFFFF086  }
0x1c: {  	p1 =	slt.u32 s9, $0xF7A;
	s5 =	simm.s32 @!p2 $0x0  }
0x1d: {  	s5 =	simm.s32 @p1 $0x1;
	p0 =	seq.s32 s7, s2  }
0x1e: {  	s7 =	smul.u32 @!p0 $0xF7A, s2;
	p2 =	seq.s32 @!p0 s5, $0x0  }
0x1f: {  	s9 =	smul.u32 $0xF7A, s1;
	s8 =	simm.s32 @!p0 $0x1BF5;
	p2 =	por !p2, p0  }
0x20: {  	[sflag:s8] =	ssyncset.s32 @!p0 $0xFFFFF086;
	s6 =	sadd.s32 @!p0 s3, s7;
	s7 =	simm.s32 @!p0 $0x108  }
0x21: {  	s3 =	sadd.s32 s3, s9;
	s6 =	sadd.s32 @!p0 $0x88, s6;
	s7 =	simm.s32 @p2 $0x1082  }
0x22: {  	[simem:s7], [sflag:s8] =	dma.local @!p0 [hbm:s6], $0xF7A  }
0x23: {  	s9 =	sor.u32 $0xD0000000, s2;
	s6 =	simm.s32 $0x108;
	_ =	swait.ge @!p0 [sflag:s8], $0x0  }
0x24: {  	s3 =	sadd.s32 $0x88, s3;
	s6 =	simm.s32 @!p1 $0x1082;
	[sflag:s4] =	ssyncset.s32 $0xFFFFF086  }
0x25: {  	[simem:s6], [sflag:s4] =	dma.local [hbm:s3], $0xF7A  }
0x26: {  	[smem:$0x3F9F] =	sst s1;
	(tag) =	ssettag s2;
	_ =	strace s9  }
0x27: {  	s1 =	sld [smem:$0x3FAF]  }
0x28: {  	s2 =	sld [smem:$0x3FB0]  }
0x29: {  	s4 =	sld [smem:$0x3FB2]  }
0x2a: {  	p0 =	seq.s32 s5, $0x0;
	s5 =	sld [smem:$0x3FB3]  }
0x2b: {  	s6 =	sld [smem:$0x3FB4]  }
0x2c: {  	s7 =	sld [smem:$0x3FB5]  }
0x2d: {  	s3 =	simm.s32 $0x108;
	s8 =	sld [smem:$0x3FB6]  }
0x2e: {  	s3 =	simm.s32 @!p0 $0x1082;
	s9 =	sld [smem:$0x3FB7]  }
0x2f: {  	lr =	sadd.s32 s0, s3;
	s0 =	sld [smem:$0x3FAE]  }
0x30: {  	s3 =	sld [smem:$0x3FB1]  }
0x31: {  	[smem:$0x3FBA] =	sst s10  }
0x32: {  	s10 =	sld [smem:$0x3FB8];
	_ =	sdelay $0x3  }
0x33: {  	p0 =	seq.s32 s10, $0x1;
	s10 =	sld [smem:$0x3FBA];
	_ =	sdelay $0x3  }
0x34: {  	[smem:$0x3FBA] =	sst s10  }
0x35: {  	s10 =	sld [smem:$0x3FB9];
	_ =	sdelay $0x3  }
0x36: {  	p1 =	seq.s32 s10, $0x1;
	s10 =	sld [smem:$0x3FBA];
	_ =	sdelay $0x3  }
0x37: {  	[smem:$0x3FBA] =	sst s10  }
0x38: {  	s10 =	sld [smem:$0x3FBB]  }
0x39: {  	_ = 	snop;
	(pc) =	sbr.ind lr, $3  }
0x3a: {  	_ = 	snop  }
0x3b: {  	_ = 	snop  }
0x3c: {  	p2 =	seq.s32 s10, $0x1;
	s10 =	sld [smem:$0x3FBA]  }
0x3d: {  	_ =	shalt  }
0x3e: {  	_ =	shalt  }
0x3f: {  	_ =	shalt  }
0x40: {  	_ =	shalt  }
0x41: {  	_ =	shalt  }
0x42: {  	_ =	shalt  }
0x43: {  	_ =	shalt  }
0x44: {  	_ =	shalt  }
0x45: {  	_ =	shalt  }
0x46: {  	_ =	shalt  }
0x47: {  	_ =	shalt  }
0x48: {  	_ =	shalt  }
0x49: {  	_ =	shalt  }
0x4a: {  	_ =	shalt  }
0x4b: {  	_ =	shalt  }
0x4c: {  	_ =	shalt  }
0x4d: {  	_ =	shalt  }
0x4e: {  	_ =	shalt  }
0x4f: {  	_ =	shalt  }
0x50: {  	_ =	shalt  }
0x51: {  	_ =	shalt  }
0x52: {  	_ =	shalt  }
0x53: {  	_ =	shalt  }
0x54: {  	_ =	shalt  }
0x55: {  	_ =	shalt  }
0x56: {  	_ =	shalt  }
0x57: {  	_ =	shalt  }
0x58: {  	_ =	shalt  }
0x59: {  	_ =	shalt  }
0x5a: {  	_ =	shalt  }
0x5b: {  	_ =	shalt  }
0x5c: {  	_ =	shalt  }
0x5d: {  	_ =	shalt  }
0x5e: {  	_ =	shalt  }
0x5f: {  	_ =	shalt  }
0x60: {  	_ =	shalt  }
0x61: {  	_ =	shalt  }
0x62: {  	_ =	shalt  }
0x63: {  	_ =	shalt  }
0x64: {  	_ =	shalt  }
0x65: {  	_ =	shalt  }
0x66: {  	_ =	shalt  }
0x67: {  	_ =	shalt  }
0x68: {  	_ =	shalt  }
0x69: {  	_ =	shalt  }
0x6a: {  	_ =	shalt  }
0x6b: {  	_ =	shalt  }
0x6c: {  	_ =	shalt  }
0x6d: {  	_ =	shalt  }
0x6e: {  	_ =	shalt  }
0x6f: {  	_ =	shalt  }
0x70: {  	_ =	shalt  }
0x71: {  	_ =	shalt  }
0x72: {  	_ =	shalt  }
0x73: {  	_ =	shalt  }
0x74: {  	_ =	shalt  }
0x75: {  	_ =	shalt  }
0x76: {  	_ =	shalt  }
0x77: {  	_ =	shalt  }
0x78: {  	_ =	shalt  }
0x79: {  	_ =	shalt  }
0x7a: {  	_ =	shalt  }
0x7b: {  	_ =	shalt  }
0x7c: {  	_ =	shalt  }
0x7d: {  	_ =	shalt  }
0x7e: {  	_ =	shalt  }
0x7f: {  	_ =	shalt  }
0x80: {  	_ =	shalt  }
0x81: {  	_ =	shalt  }
0x82: {  	_ =	shalt  }
0x83: {  	_ =	shalt  }
0x84: {  	_ =	shalt  }
0x85: {  	_ =	shalt  }
0x86: {  	_ =	shalt  }
0x87: {  	_ =	shalt  }
.Lfunc_end0:
.L_simem_size_0:
called_computation_lowered:
.L_overlay_start_0:
0x88: {  	s2 =	sld [smem:$0x3FD9]  }
0x89: {  	s3 =	sld [smem:$0x3FFE];
	_ =	sdelay $0x1  }
0x8a: {  	s1 =	srdreg.scid  }
0x8b: {  	s0 =	sand.u32 $0x1, s1  }
0x8c: {  	s18 =	sshll.u32 s0, $0xA;
	s2 =	sadd.s32 s3, s2  }
0x8d: {  	s2 =	sadd.s32 s2, s18  }
0x8e: {  	[smem:$0x3FC6] =	sst s2  }
0x8f: {  	_ = 	snop  }
0x90: {  	s2 =	sld [smem:$0x3FC9]  }
0x91: {  	s19 =	sld [smem:$0x3FC8]  }
0x92: {  	s4 =	sld [smem:$0x3FD0];
	(tm) =	ssettm $0x1  }
0x93: {  	s5 =	sld [smem:$0x3FFB];
	_ =	sdelay $0x3  }
0x94: {  	_ =	strace s5  }
0x95: {  	s5 =	sld [smem:$0x3FFC];
	_ =	sdelay $0x3  }
0x96: {  	_ =	strace s5  }
0x97: {  	s5 =	sld [smem:$0x3FFD];
	_ =	sdelay $0x3  }
0x98: {  	_ =	strace s5  }
0x99: {  	_ =	strace $0x8FFFFFFF  }
0x9a: {  	s20 =	sld [smem:$0x3FDB];
	_ =	sdelay $0x1  }
0x9b: {  	s6 =	simm.s32 $_scs_section_size  }
0x9c: {  	s7 =	simm.s32 $_size__tile_overlayer_lowered;
	s8 =	simm.s32 $_tile_overlayer_lowered  }
0x9d: {  	s23 =	simm.s32 $0x1BFF;
	s22 =	sshll.u32 s8, $0x1;
	s5 =	sadd.s32 s6, s20  }
0x9e: {  	s9 =	simm.s32 $0x0;
	s21 =	sshll.u32 s7, $0x1;
	s7 =	sadd.s32 s22, s5  }
0x9f: {  	[timem:s9], [sflag:s23] =	dma.local [hbm:s7], s21  }
0xa0: {  	_ =	swait.ge [sflag:s23], s21  }
0xa1: {  	s6 =	ssub.s32 $0x0, s21;
	[sflag:s23] =	ssyncset.done $0x0  }
0xa2: {  	[sflag:s23] =	ssyncadd.s32 s6;
	_ =	sdelay $0x1  }
0xa3: {  	s24 =	simm.s32 $0x1B8B  }
0xa4: {  	_ =	swait.ge [sflag:s24], $0x1  }
0xa5: {  	[sflag:s24] =	ssyncset.done $0x0  }
0xa6: {  	s25 =	simm.s32 $0x1B8E;
	[sflag:s24] =	ssyncadd.s32 $0xFFFFFFFF  }
0xa7: {  	s26 =	simm.s32 $execute0_lowered;
	[smem:$0x3FD2] =	sst s25  }
0xa8: {  	s6 =	sshll.u32 s26, $0x1;
	_ =	strace $0x80000046;
	[dreg:$0x1] =	wrdreg $0xFFFFFFFF  }
0xa9: {  	s28 =	simm.s32 $_size_execute0_lowered;
	s5 =	sadd.s32 s5, s6;
	[dreg:$0x0] =	wrdreg $0x0  }
0xaa: {  	s6 =	sshll.u32 s28, $0x1;
	[dreg:$0x2] =	wrdreg s5  }
0xab: {  	[dreg:$0x3] =	wrdreg s6  }
0xac: {  	[dreg:$0x4] =	wrdreg $0xC0  }
0xad: {  	_ =	task [dreg:s9], $0x5FFFF  }
0xae: {  	[dreg:$0x1] =	wrdreg $0xFFFFFFFF  }
0xaf: {  	[dreg:$0x0] =	wrdreg $0x60  }
0xb0: {  	[dreg:$0x2] =	wrdreg s2  }
0xb1: {  	[dreg:$0x3] =	wrdreg s19  }
0xb2: {  	[dreg:$0x4] =	wrdreg s4  }
0xb3: {  	[dreg:$0x5] =	wrdreg $0x9  }
0xb4: {  	_ =	task.clear_ibuf [dreg:s9], $0x6FFFF;
	_ =	strace $0x90000046  }
0xb5: {  	s29 =	simm.s32 $0x9;
	_ =	strace $0x80000048  }
0xb6: {  	_ =	swait.ge [sflag:s29], $0x1  }
0xb7: {  	[sflag:s29] =	ssyncadd.s32 $0xFFFFFFFF  }
0xb8: {  	_ =	strace $0x90000048  }
0xb9: {  	_ =	sfence  }
0xba: {  	s30 =	sld [smem:$0x0];
	_ =	sdelay $0x2  }
0xbb: {  	s31 =	sshll.u32 s1, $0xD;
	s1 =	sshrl.u32 s1, $0x2  }
0xbc: {  	s3 =	sand.u32 $0x4000, s31;
	s1 =	sadd.s32 s1, s30  }
0xbd: {  	s0 =	sor.u32 s3, s0;
	s1 =	sshll.u32 s1, $0x11  }
0xbe: {  	s0 =	sor.u32 s1, s0  }
0xbf: {  	s0 =	sadd.s32 $0x8F2B, s0  }
0xc0: {  	[sflag:s0] =	ssyncadd.remote.s32 $0x1  }
0xc1: {  	_ =	sfence.sel $0xFFFF  }
0xc2: {  	[dreg:$0x0] =	wrdreg $0xFFFFFFFF;
	(pc) =	sbr.abs _section_cstart, $3  }
0xc3: {  	[dreg:$0x1] =	wrdreg $0xFFFFFFFF  }
0xc4: {  	_ =	task.clear_ibuf [dreg:s9], $0x2FFFF;
	_ =	strace $0x9FFFFFFF  }
0xc5: {  	(tm) =	ssettm $0x7FFFFFFF  }
tec
execute0_lowered:
.L_overlay_start_1:
0x0: {  	(tag) =	ssettag $0x1  }
0x1: {  	s1 =	rddreg [dreg:$0x0]  }
0x2: {  	s0 =	rddreg [dreg:$0x1]  }
0x3: {  	s2 =	rddreg [dreg:$0x2];
	s4 =	simm.s32 $0x0  }
0x4: {  	s3 =	srdreg.scid;
	s10 =	stileid.u32;
	s17 =	simm.s32 $0x100  }
0x5: {  	s18 =	simm.s32 $0x400;
	s19 =	simm.s32 $0x1000;
	s20 =	simm.s32 $0x9000  }
0x6: {  	s28 =	simm.s32 $0x3;
	s29 =	simm.s32 $0x1D000;
	s30 =	simm.s32 $0x4  }
0x7: {  	s31 =	simm.s32 $0x5;
	[smem:$0x7FF] =	sst s4;
	s3 =	sand.u32 $0x1, s3  }
0x8: {  	s5 =	sshll.u32 s10, $0x15;
	s22 =	sshll.u32 s10, $0x10;
	s23 =	sshll.u32 s10, $0x9  }
0x9: {  	s12 =	sshll.u32 s10, $0x13;
	s21 =	ssub.s32 $0x2, s3;
	s6 =	sshll.u32 s3, $0x14  }
0xa: {  	_ =	strace $0x80000047;
	s0 =	sadd.s32 s0, s23;
	s23 =	simm.s32 $0x1  }
0xb: {  	s7 =	sshrl.u32 s21, $0x1;
	s8 =	sor.u32 s6, s5;
	[dreg:$0x7] =	wrdreg s0  }
0xc: {  	s4 =	ssub.s32 s21, s7;
	s7 =	sshll.u32 s3, $0x6;
	s8 =	sshrl.u32 s8, $0x3  }
0xd: {  	s3 =	sshll.u32 s3, $0xF;
	s21 =	simm.s32 $0x11000;
	s11 =	sadd.s32 s1, s8  }
0xe: {  	s3 =	sor.u32 s22, s3;
	s26 =	smax.u32 s4, $0x1;
	[dreg:$0x4] =	wrdreg s11  }
0xf: {  	s13 =	sor.u32 $0x8, s7;
	s9 =	sadd.s32 $0x20, s11;
	[dreg:$0xa] =	wrdreg s26  }
0x10: {  	s24 =	sadd.s32 $0x40, s11;
	s25 =	sadd.s32 s3, s2;
	[dreg:$0x5] =	wrdreg s9  }
0x11: {  	s26 =	simm.s32 $0x1B000;
	[dreg:$0x6] =	wrdreg s24;
	s3 =	sadd.s32 $0x7040, s25  }
0x12: {  	s0 =	sadd.s32 $0x7060, s25;
	s24 =	simm.s32 $0x19000;
	[dreg:$0x8] =	wrdreg s3  }
0x13: {  	s25 =	simm.s32 $0x2;
	[dreg:$0x9] =	wrdreg s0;
	s3 =	simm.s32 $0x0  }
.LBB2_1:
0x14: {  	s0 =	rddreg [dreg:$0x4]  }
0x15: {  	[tilespmem:s19], [sflag:$0x1] =	stream.strided.gather [hbm4b:s0+s17], $0x8000, s18, s17, $0x38;
	[tilespmem:$0x1F000] =	vst v63  }
0x16: {  	s14 =	rddreg [dreg:$0x5]  }
0x17: {  	[tilespmem:s20], [sflag:$0x2] =	stream.strided.gather [hbm4b:s14+s17], $0x8000, s18, s17, $0x38;
	[tilespmem:$0x1F000] =	vst v63  }
0x18: {  	s15 =	rddreg [dreg:$0x6]  }
0x19: {  	[tilespmem:s21], [sflag:$0x3] =	stream.strided.gather [hbm4b:s15+s17], $0x8000, s18, s17, $0x38;
	[tilespmem:$0x1F000] =	vst v63  }
0x1a: {  	s16 =	simm.s32 $0x0;
	s4 =	rddreg [dreg:$0x7];
	s22 =	simm.s32 $0x7  }
0x1b: {  	[tilespmem:s16], [sflag:$0x7] =	stream.linear.gather [hbm4b:s4+s16], $0x1000, $0x38;
	[tilespmem:$0x1F000] =	vst v63  }
0x1c: {  	_ =	swait.ge [sflag:s22], $0x1000  }
0x1d: {  	[sflag:s22] =	ssyncset.done $0x0  }
0x1e: {  	s4 =	simm.s32 $0x0;
	[sflag:s22] =	ssyncadd.s32 $0xFFFFF000  }
.LBB2_2:
0x1f: {  	_ =	swait.ge [sflag:s23], $0x8000  }
0x20: {  	p0 =	seq.s32 s4, $0x0;
	[sflag:s23] =	ssyncset.done $0x0  }
0x21: {  	s0 =	simm.s32 @!p0 $0x4;
	[sflag:s23] =	ssyncadd.s32 $0xFFFF8000  }
0x22: {  	_ =	swait.ge @!p0 [sflag:s0], $0x2000  }
0x23: {  	[sflag:s0] =	ssyncset.done @!p0 $0x0  }
0x24: {  	s16 =	simm.s32 $0x40;
	[sflag:s0] =	ssyncadd.s32 @!p0 $0xFFFFE000  }
0x25: {  	v0 =	vld [tilespmem:s16+$0xFFFFFFC0]  }
0x26: {  	v1 =	vld [tilespmem:s16+$0x30];
	_ =	sdelay $0x3  }
0x27: {  	v4 =	vld [tilespmem:s16+$0x20];
	v2 =	vshll.u32 v0, $0x1  }
0x28: {  	v5 =	vld [tilespmem:s16+$0xFFFFFFE0];
	v3 =	vshll.u32 v1, $0x1;
	v0 =	vand.u32 $0x7F, v0;
	v2 =	vand.u32 $0xFFFFFF00, v2  }
0x29: {  	v1 =	vand.u32 $0x7F, v1;
	v3 =	vand.u32 $0xFFFFFF00, v3;
	v0 =	vor.u32 v0, v2  }
0x2a: {  	v1 =	vor.u32 v1, v3;
	v3 =	vld [tilespmem:s16+$0x10]  }
0x2b: {  	v2 =	vld [tilespmem:s16+$0xFFFFFFF0]  }
0x2c: {  	v6 =	vld [tilespmem:s16+$0x0];
	v7 =	vshll.u32 v4, $0x1;
	v4 =	vand.u32 $0x7F, v4  }
0x2d: {  	v8 =	vld [tilespmem:s16+$0xFFFFFFD0];
	v14 =	vshll.u32 v5, $0x1;
	v5 =	vand.u32 $0x7F, v5;
	v7 =	vand.u32 $0xFFFFFF00, v7  }
0x2e: {  	v14 =	vand.u32 $0xFFFFFF00, v14;
	v4 =	vor.u32 v4, v7;
	v10 =	vor.u32 $0x80, v0;
	v9 =	vld.idx.msk [tilespmem:v0+s19+$0x0], $0xffff  }
0x2f: {  	s15 =	simm.s32 $0xC0;
	v12 =	vor.u32 $0x80, v1;
	v7 =	vld.idx.msk [tilespmem:v1+s19+$0x0], $0xffff;
	v11 =	vshll.u32 v3, $0x1;
	v3 =	vand.u32 $0x7F, v3  }
0x30: {  	v15 =	vld [tilespmem:s15+$0x30];
	v13 =	vand.u32 $0x7F, v2;
	v2 =	vshll.u32 v2, $0x1;
	v11 =	vand.u32 $0xFFFFFF00, v11  }
0x31: {  	v16 =	vld [tilespmem:s15+$0xFFFFFFC0];
	v2 =	vand.u32 $0xFFFFFF00, v2;
	v3 =	vor.u32 v3, v11;
	v11 =	vshll.u32 v6, $0x1  }
0x32: {  	s14 =	simm.s32 $0x19080;
	v18 =	vld [tilespmem:s15+$0x20];
	v6 =	vand.u32 $0x7F, v6;
	v13 =	vor.u32 v13, v2;
	v2 =	vand.u32 $0xFFFFFF00, v11  }
0x33: {  	v5 =	vor.u32 v5, v14;
	v6 =	vor.u32 v6, v2;
	v2 =	vld [tilespmem:s15+$0x10];
	[tilespmem:s14+$0xFFFFFF80] =	vst v9  }
0x34: {  	v9 =	vld.idx.msk [tilespmem:v4+s19+$0x0], $0xffff;
	[tilespmem:s14+$0xFFFFFFF0] =	vst v7;
	v7 =	vshll.u32 v8, $0x1  }
0x35: {  	v4 =	vor.u32 $0x80, v4;
	v8 =	vand.u32 $0x7F, v8;
	v10 =	vld.idx.msk [tilespmem:v10+s19+$0x0], $0xffff;
	v7 =	vand.u32 $0xFFFFFF00, v7  }
0x36: {  	v11 =	vld.idx.msk [tilespmem:v12+s19+$0x0], $0xffff;
	v7 =	vor.u32 v8, v7  }
0x37: {  	v8 =	vld.idx.msk [tilespmem:v3+s19+$0x0], $0xffff  }
0x38: {  	v12 =	vld.idx.msk [tilespmem:v5+s19+$0x0], $0xffff;
	v3 =	vor.u32 $0x80, v3  }
0x39: {  	v5 =	vor.u32 $0x80, v5;
	[tilespmem:s14+$0xFFFFFFE0] =	vst v9;
	v9 =	vld.idx.msk [tilespmem:v6+s19+$0x0], $0xffff  }
0x3a: {  	v17 =	vld.idx.msk [tilespmem:v4+s19+$0x0], $0xffff  }
0x3b: {  	v6 =	vor.u32 $0x80, v6;
	[tilespmem:s14+$0x0] =	vst v10;
	v4 =	vld.idx.msk [tilespmem:v7+s19+$0x0], $0xffff  }
0x3c: {  	v14 =	vld.idx.msk [tilespmem:v13+s19+$0x0], $0xffff;
	v10 =	vor.u32 $0x80, v7;
	[tilespmem:s14+$0xFFFFFFD0] =	vst v8  }
0x3d: {  	v13 =	vor.u32 $0x80, v13;
	[tilespmem:s14+$0xFFFFFFA0] =	vst v12;
	v19 =	vld.idx.msk [tilespmem:v3+s19+$0x0], $0xffff  }
0x3e: {  	[tilespmem:s14+$0x70] =	vst v11;
	v3 =	vld.idx.msk [tilespmem:v5+s19+$0x0], $0xffff;
	v5 =	vshll.u32 v15, $0x1  }
0x3f: {  	v11 =	vshll.u32 v16, $0x1;
	v7 =	vld [tilespmem:s15+$0x0];
	v5 =	vand.u32 $0xFFFFFF00, v5;
	[tilespmem:s14+$0xFFFFFFC0] =	vst v9;
	v9 =	vand.u32 $0x7F, v15  }
0x40: {  	v11 =	vand.u32 $0xFFFFFF00, v11;
	[tilespmem:s14+$0xFFFFFF90] =	vst v4;
	v4 =	vld.idx.msk [tilespmem:v6+s19+$0x0], $0xffff;
	v6 =	vor.u32 v9, v5;
	v9 =	vand.u32 $0x7F, v16  }
0x41: {  	[tilespmem:s14+$0xFFFFFFB0] =	vst v14;
	v5 =	vld.idx.msk [tilespmem:v10+s19+$0x0], $0xffff;
	v10 =	vor.u32 v9, v11  }
0x42: {  	s10 =	smul.u32 $0x6, s4;
	v8 =	vld.idx.msk [tilespmem:v13+s19+$0x0], $0xffff  }
0x43: {  	s22 =	smul.u32 $0x300, s4;
	v1 =	vld [tilespmem:s15+$0xFFFFFFF0]  }
0x44: {  	s9 =	smul.u32 $0x3, s4;
	s8 =	simm.s32 $0x19080;
	v0 =	vld [tilespmem:s15+$0xFFFFFFE0];
	v12 =	vshll.u32 v18, $0x1;
	[tilespmem:s14+$0x60] =	vst v17  }
0x45: {  	s11 =	sand.u32 $0x300, s22;
	s22 =	simm.s32 $0x8;
	s16 =	sadd.s32 s7, s10;
	v11 =	vand.u32 $0xFFFFFF00, v12;
	v9 =	vld [tilespmem:s15+$0xFFFFFFD0];
	v12 =	vand.u32 $0x7F, v18;
	[tilespmem:s14+$0x50] =	vst v19  }
.LBB2_3:
0x46: {  	s22 =	sadd.s32 $0x8, s22;
	v13 =	vld.idx.msk [tilespmem:v10+s19+$0x0], $0xffff;
	v10 =	vor.u32 $0x80, v10;
	v14 =	vshll.u32 v2, $0x1;
	v15 =	vor.u32 $0x80, v6;
	s14 =	sadd.s32 $0x100, s14  }
0x47: {  	v2 =	vand.u32 $0x7F, v2;
	v11 =	vor.u32 v12, v11;
	s15 =	sadd.s32 $0x80, s15;
	p1 =	slt.u32 s22, $0xF8;
	v16 =	vand.u32 $0x7F, v7;
	v6 =	vld.idx.msk [tilespmem:v6+s19+$0x0], $0xffff;
	[tilespmem:s8+$0x30] =	vst v8  }
0x48: {  	v12 =	vand.u32 $0x7F, v1;
	v17 =	vshll.u32 v1, $0x1;
	v18 =	vor.u32 $0x80, v11;
	v8 =	vld [tilespmem:s15+$0xFFFFFFE0];
	[tilespmem:s8+$0x20] =	vst v3  }
0x49: {  	v17 =	vand.u32 $0xFFFFFF00, v17;
	v7 =	vshll.u32 v7, $0x1;
	v3 =	vshll.u32 v0, $0x1;
	v1 =	vld [tilespmem:s15+$0xFFFFFFF0];
	[tilespmem:s8+$0x40] =	vst v4  }
0x4a: {  	v14 =	vand.u32 $0xFFFFFF00, v14;
	v3 =	vand.u32 $0xFFFFFF00, v3;
	v4 =	vld [tilespmem:s15+$0x30];
	v19 =	vand.u32 $0x7F, v9;
	[tilespmem:s8+$0x10] =	vst v5;
	s8 =	smov.u32 s14  }
0x4b: {  	v20 =	vand.u32 $0x7F, v0;
	v12 =	vor.u32 v12, v17;
	v14 =	vor.u32 v2, v14;
	v5 =	vld [tilespmem:s15+$0xFFFFFFC0]  }
0x4c: {  	v2 =	vshll.u32 v9, $0x1;
	v3 =	vor.u32 v20, v3;
	[tilespmem:s14+$0xFFFFFF80] =	vst v13;
	v13 =	vand.u32 $0xFFFFFF00, v7;
	v7 =	vld.idx.msk [tilespmem:v11+s19+$0x0], $0xffff  }
0x4d: {  	v2 =	vand.u32 $0xFFFFFF00, v2;
	v9 =	vld.idx.msk [tilespmem:v10+s19+$0x0], $0xffff;
	v10 =	vor.u32 v16, v13;
	[tilespmem:s14+$0xFFFFFFF0] =	vst v6;
	v0 =	vmov v8  }
0x4e: {  	v8 =	vor.u32 v19, v2;
	v11 =	vld.idx.msk [tilespmem:v15+s19+$0x0], $0xffff  }
0x4f: {  	v2 =	vld [tilespmem:s15+$0x10];
	v6 =	vand.u32 $0x7F, v4;
	v4 =	vshll.u32 v4, $0x1  }
0x50: {  	v13 =	vshll.u32 v5, $0x1;
	v4 =	vand.u32 $0xFFFFFF00, v4;
	v15 =	vld.idx.msk [tilespmem:v14+s19+$0x0], $0xffff  }
0x51: {  	v13 =	vand.u32 $0xFFFFFF00, v13;
	v6 =	vor.u32 v6, v4;
	v4 =	vld.idx.msk [tilespmem:v3+s19+$0x0], $0xffff  }
0x52: {  	v14 =	vor.u32 $0x80, v14;
	v16 =	vld.idx.msk [tilespmem:v12+s19+$0x0], $0xffff;
	[tilespmem:s14+$0xFFFFFFE0] =	vst v7  }
0x53: {  	v3 =	vor.u32 $0x80, v3;
	[tilespmem:s14+$0x0] =	vst v9;
	v7 =	vld.idx.msk [tilespmem:v10+s19+$0x0], $0xffff  }
0x54: {  	v9 =	vor.u32 $0x80, v12;
	v12 =	vld.idx.msk [tilespmem:v18+s19+$0x0], $0xffff;
	[tilespmem:s14+$0x70] =	vst v11  }
0x55: {  	v11 =	vld.idx.msk [tilespmem:v8+s19+$0x0], $0xffff  }
0x56: {  	v19 =	vor.u32 $0x80, v10;
	v18 =	vor.u32 $0x80, v8;
	v17 =	vld [tilespmem:s15+$0x20];
	[tilespmem:s14+$0xFFFFFFD0] =	vst v15  }
0x57: {  	[tilespmem:s14+$0xFFFFFFA0] =	vst v4;
	v14 =	vld.idx.msk [tilespmem:v14+s19+$0x0], $0xffff  }
0x58: {  	v4 =	vand.u32 $0x7F, v5;
	v3 =	vld.idx.msk [tilespmem:v3+s19+$0x0], $0xffff;
	[tilespmem:s14+$0xFFFFFFB0] =	vst v16  }
.Ltmp0:
0x59: {  	v10 =	vor.u32 v4, v13;
	v8 =	vld.idx.msk [tilespmem:v9+s19+$0x0], $0xffff;
	[tilespmem:s14+$0xFFFFFFC0] =	vst v7;
	(pc) =	sbr.rel @p1 .LBB2_3-.Ltmp0, $4  }
0x5a: {  	v7 =	vld [tilespmem:s15+$0x0];
	[tilespmem:s14+$0x60] =	vst v12  }
0x5b: {  	v5 =	vshll.u32 v17, $0x1;
	[tilespmem:s14+$0xFFFFFF90] =	vst v11;
	v4 =	vld.idx.msk [tilespmem:v19+s19+$0x0], $0xffff  }
0x5c: {  	v11 =	vand.u32 $0xFFFFFF00, v5;
	v5 =	vld.idx.msk [tilespmem:v18+s19+$0x0], $0xffff  }
0x5d: {  	v12 =	vand.u32 $0x7F, v17;
	v9 =	vld [tilespmem:s15+$0xFFFFFFD0];
	[tilespmem:s14+$0x50] =	vst v14  }
0x5e: {  	_ =	sdelay $0x2  }
0x5f: {  	v13 =	vor.u32 $0x80, v10  }
0x60: {  	v10 =	vld.idx.msk [tilespmem:v10+s19+$0x0], $0xffff;
	v14 =	vshll.u32 v2, $0x1;
	v15 =	vor.u32 $0x80, v6;
	v11 =	vor.u32 v12, v11  }
0x61: {  	v2 =	vand.u32 $0x7F, v2;
	v6 =	vld.idx.msk [tilespmem:v6+s19+$0x0], $0xffff;
	v16 =	vand.u32 $0x7F, v1;
	v1 =	vshll.u32 v1, $0x1  }
0x62: {  	v17 =	vshll.u32 v0, $0x1;
	v0 =	vand.u32 $0x7F, v0;
	v14 =	vand.u32 $0xFFFFFF00, v14  }
0x63: {  	v12 =	vand.u32 $0x7F, v7;
	v1 =	vand.u32 $0xFFFFFF00, v1;
	v2 =	vor.u32 v2, v14  }
0x64: {  	s0 =	sadd.s32 $0x100, s14;
	[tilespmem:s8+$0x30] =	vst v8;
	v7 =	vshll.u32 v7, $0x1;
	v8 =	vand.u32 $0xFFFFFF00, v17;
	v1 =	vor.u32 v16, v1  }
0x65: {  	v0 =	vor.u32 v0, v8;
	v7 =	vand.u32 $0xFFFFFF00, v7;
	[tilespmem:s0+$0xFFFFFF80] =	vst v10;
	v10 =	vshll.u32 v9, $0x1;
	v8 =	vld.idx.msk [tilespmem:v11+s19+$0x0], $0xffff  }
0x66: {  	v7 =	vor.u32 v12, v7;
	v9 =	vand.u32 $0x7F, v9;
	[tilespmem:s0+$0xFFFFFFF0] =	vst v6;
	v13 =	vld.idx.msk [tilespmem:v13+s19+$0x0], $0xffff;
	v10 =	vand.u32 $0xFFFFFF00, v10  }
0x67: {  	[tilespmem:s8+$0x20] =	vst v3;
	v6 =	vld.idx.msk [tilespmem:v15+s19+$0x0], $0xffff;
	v3 =	vor.u32 v9, v10  }
0x68: {  	[tilespmem:s8+$0x40] =	vst v4;
	v9 =	vor.u32 $0x80, v11;
	v4 =	vld.idx.msk [tilespmem:v2+s19+$0x0], $0xffff  }
0x69: {  	[tilespmem:s8+$0x10] =	vst v5;
	v5 =	vld.idx.msk [tilespmem:v1+s19+$0x0], $0xffff;
	v2 =	vor.u32 $0x80, v2  }
0x6a: {  	v10 =	vld.idx.msk [tilespmem:v0+s19+$0x0], $0xffff;
	v1 =	vor.u32 $0x80, v1;
	[tilespmem:s0+$0xFFFFFFE0] =	vst v8  }
0x6b: {  	v0 =	vor.u32 $0x80, v0;
	v8 =	vld.idx.msk [tilespmem:v7+s19+$0x0], $0xffff;
	[tilespmem:s0+$0x0] =	vst v13  }
0x6c: {  	v7 =	vor.u32 $0x80, v7;
	[tilespmem:s0+$0x70] =	vst v6;
	v6 =	vld.idx.msk [tilespmem:v3+s19+$0x0], $0xffff  }
0x6d: {  	v9 =	vld.idx.msk [tilespmem:v9+s19+$0x0], $0xffff;
	v3 =	vor.u32 $0x80, v3;
	[tilespmem:s0+$0xFFFFFFD0] =	vst v4  }
0x6e: {  	[tilespmem:s0+$0xFFFFFFB0] =	vst v5;
	v2 =	vld.idx.msk [tilespmem:v2+s19+$0x0], $0xffff  }
0x6f: {  	[tilespmem:s0+$0xFFFFFFA0] =	vst v10;
	v1 =	vld.idx.msk [tilespmem:v1+s19+$0x0], $0xffff  }
0x70: {  	v0 =	vld.idx.msk [tilespmem:v0+s19+$0x0], $0xffff;
	[tilespmem:s0+$0xFFFFFFC0] =	vst v8  }
0x71: {  	v4 =	vld.idx.msk [tilespmem:v7+s19+$0x0], $0xffff;
	[tilespmem:s0+$0xFFFFFF90] =	vst v6  }
0x72: {  	s22 =	sshll.u32 s16, $0xC;
	[tilespmem:s0+$0x60] =	vst v9;
	v3 =	vld.idx.msk [tilespmem:v3+s19+$0x0], $0xffff  }
0x73: {  	s8 =	sand.u32 $0xF8000, s22;
	[tilespmem:s0+$0x50] =	vst v2  }
0x74: {  	s8 =	sadd.s32 s12, s8;
	[tilespmem:s0+$0x30] =	vst v1  }
0x75: {  	s8 =	sor.u32 s11, s8;
	[tilespmem:s0+$0x20] =	vst v0  }
0x76: {  	s14 =	sadd.s32 $0x3, s9;
	s8 =	sshrl.u32 s8, $0x3;
	[tilespmem:s0+$0x40] =	vst v4  }
0x77: {  	s15 =	sshll.u32 s14, $0xF;
	s8 =	sadd.s32 s2, s8;
	[tilespmem:s0+$0x10] =	vst v3  }
0x78: {  	[hbm4b:s8+s17] =	stream.strided.scatter [tilespmem:s24], [sflag:$0x4], $0x2000, s18, s17, $0x38;
	[tilespmem:$0x1F000] =	vst v63  }
0x79: {  	s8 =	sadd.s32 s6, s15  }
0x7a: {  	s0 =	sshll.u32 s14, $0x8;
	s8 =	sand.u32 $0x7E0000, s8  }
0x7b: {  	s0 =	sand.u32 $0x300, s0;
	s8 =	sadd.s32 s5, s8  }
0x7c: {  	s0 =	sor.u32 s0, s8  }
0x7d: {  	s0 =	sshrl.u32 s0, $0x3  }
0x7e: {  	s0 =	sadd.s32 s1, s0  }
0x7f: {  	[tilespmem:s19], [sflag:$0x1] =	stream.strided.gather [hbm4b:s0+s17], $0x8000, s18, s17, $0x38;
	[tilespmem:$0x1F000] =	vst v63  }
0x80: {  	_ =	swait.ge [sflag:s25], $0x8000  }
0x81: {  	[sflag:s25] =	ssyncset.done $0x0  }
0x82: {  	s0 =	simm.s32 @!p0 $0x5;
	[sflag:s25] =	ssyncadd.s32 $0xFFFF8000  }
0x83: {  	_ =	swait.ge @!p0 [sflag:s0], $0x2000  }
0x84: {  	[sflag:s0] =	ssyncset.done @!p0 $0x0  }
0x85: {  	s16 =	simm.s32 $0x40;
	[sflag:s0] =	ssyncadd.s32 @!p0 $0xFFFFE000  }
0x86: {  	v0 =	vld [tilespmem:s16+$0xFFFFFFC0]  }
0x87: {  	v1 =	vld [tilespmem:s16+$0x30];
	_ =	sdelay $0x3  }
0x88: {  	v4 =	vld [tilespmem:s16+$0x20];
	v2 =	vshll.u32 v0, $0x1  }
0x89: {  	v5 =	vld [tilespmem:s16+$0xFFFFFFE0];
	v3 =	vshll.u32 v1, $0x1;
	v0 =	vand.u32 $0x7F, v0;
	v2 =	vand.u32 $0xFFFFFF00, v2  }
0x8a: {  	v1 =	vand.u32 $0x7F, v1;
	v3 =	vand.u32 $0xFFFFFF00, v3;
	v0 =	vor.u32 v0, v2  }
0x8b: {  	v6 =	vld [tilespmem:s16+$0x0];
	v1 =	vor.u32 v1, v3  }
0x8c: {  	v3 =	vld [tilespmem:s16+$0x10]  }
0x8d: {  	v7 =	vshll.u32 v4, $0x1;
	v2 =	vld [tilespmem:s16+$0xFFFFFFF0]  }
0x8e: {  	v8 =	vld [tilespmem:s16+$0xFFFFFFD0];
	v4 =	vand.u32 $0x7F, v4;
	v14 =	vshll.u32 v5, $0x1;
	v7 =	vand.u32 $0xFFFFFF00, v7  }
0x8f: {  	v5 =	vand.u32 $0x7F, v5;
	v14 =	vand.u32 $0xFFFFFF00, v14;
	v4 =	vor.u32 v4, v7;
	v9 =	vld.idx.msk [tilespmem:v0+s20+$0x0], $0xffff  }
0x90: {  	s15 =	simm.s32 $0xC0;
	v5 =	vor.u32 v5, v14;
	v10 =	vor.u32 $0x80, v0;
	v7 =	vld.idx.msk [tilespmem:v1+s20+$0x0], $0xffff  }
0x91: {  	v15 =	vld [tilespmem:s15+$0x30];
	v12 =	vor.u32 $0x80, v1;
	v11 =	vshll.u32 v3, $0x1;
	v3 =	vand.u32 $0x7F, v3  }
0x92: {  	v62 =	vld [tilespmem:s15+$0xFFFFFFC0];
	v13 =	vand.u32 $0x7F, v2;
	v2 =	vshll.u32 v2, $0x1;
	v11 =	vand.u32 $0xFFFFFF00, v11  }
0x93: {  	s14 =	simm.s32 $0x1B080;
	v18 =	vld [tilespmem:s15+$0x20];
	v2 =	vand.u32 $0xFFFFFF00, v2;
	v3 =	vor.u32 v3, v11;
	v11 =	vshll.u32 v6, $0x1  }
0x94: {  	v6 =	vand.u32 $0x7F, v6;
	v13 =	vor.u32 v13, v2;
	v2 =	vand.u32 $0xFFFFFF00, v11;
	[tilespmem:s14+$0xFFFFFF80] =	vst v9;
	v9 =	vld.idx.msk [tilespmem:v4+s20+$0x0], $0xffff  }
0x95: {  	v6 =	vor.u32 v6, v2;
	[tilespmem:s14+$0xFFFFFFF0] =	vst v7;
	v7 =	vshll.u32 v8, $0x1;
	v10 =	vld.idx.msk [tilespmem:v10+s20+$0x0], $0xffff  }
0x96: {  	v4 =	vor.u32 $0x80, v4;
	v8 =	vand.u32 $0x7F, v8;
	v11 =	vld.idx.msk [tilespmem:v12+s20+$0x0], $0xffff;
	v7 =	vand.u32 $0xFFFFFF00, v7  }
0x97: {  	v12 =	vld.idx.msk [tilespmem:v5+s20+$0x0], $0xffff;
	v7 =	vor.u32 v8, v7  }
0x98: {  	v8 =	vld.idx.msk [tilespmem:v3+s20+$0x0], $0xffff  }
0x99: {  	v14 =	vld.idx.msk [tilespmem:v13+s20+$0x0], $0xffff;
	v3 =	vor.u32 $0x80, v3  }
0x9a: {  	v5 =	vor.u32 $0x80, v5;
	v63 =	vld.idx.msk [tilespmem:v6+s20+$0x0], $0xffff;
	[tilespmem:s14+$0xFFFFFFE0] =	vst v9  }
0x9b: {  	v9 =	vor.u32 $0x80, v13;
	v13 =	vld.idx.msk [tilespmem:v4+s20+$0x0], $0xffff  }
0x9c: {  	v6 =	vor.u32 $0x80, v6;
	[tilespmem:s14+$0x0] =	vst v10;
	v4 =	vld.idx.msk [tilespmem:v7+s20+$0x0], $0xffff  }
0x9d: {  	v0 =	vld [tilespmem:s15+$0xFFFFFFE0];
	[tilespmem:s14+$0xFFFFFFD0] =	vst v8  }
0x9e: {  	[tilespmem:s14+$0xFFFFFFA0] =	vst v12;
	v19 =	vld.idx.msk [tilespmem:v3+s20+$0x0], $0xffff  }
0x9f: {  	[tilespmem:s14+$0x70] =	vst v11;
	v10 =	vshll.u32 v62, $0x1;
	v3 =	vld.idx.msk [tilespmem:v5+s20+$0x0], $0xffff;
	v5 =	vshll.u32 v15, $0x1  }
0xa0: {  	v2 =	vld [tilespmem:s15+$0x10];
	v11 =	vand.u32 $0x7F, v15;
	v8 =	vor.u32 $0x80, v7;
	[tilespmem:s14+$0xFFFFFFC0] =	vst v63;
	v5 =	vand.u32 $0xFFFFFF00, v5  }
0xa1: {  	v10 =	vand.u32 $0xFFFFFF00, v10;
	[tilespmem:s14+$0xFFFFFF90] =	vst v4;
	v4 =	vld.idx.msk [tilespmem:v6+s20+$0x0], $0xffff;
	v6 =	vor.u32 v11, v5;
	v11 =	vand.u32 $0x7F, v62  }
0xa2: {  	[tilespmem:s14+$0xFFFFFFB0] =	vst v14;
	v7 =	vld [tilespmem:s15+$0x0];
	v10 =	vor.u32 v11, v10  }
0xa3: {  	s22 =	sadd.s32 $0x2, s10;
	v9 =	vld.idx.msk [tilespmem:v9+s20+$0x0], $0xffff  }
0xa4: {  	s0 =	sshll.u32 s22, $0x7;
	v1 =	vld [tilespmem:s15+$0xFFFFFFF0]  }
0xa5: {  	s8 =	sand.u32 $0x300, s0;
	v12 =	vshll.u32 v18, $0x1;
	[tilespmem:s14+$0x60] =	vst v13;
	v5 =	vld.idx.msk [tilespmem:v8+s20+$0x0], $0xffff  }
0xa6: {  	s0 =	simm.s32 $0x8;
	s16 =	sadd.s32 s7, s22;
	s22 =	simm.s32 $0x1B080;
	v11 =	vand.u32 $0xFFFFFF00, v12;
	v8 =	vld [tilespmem:s15+$0xFFFFFFD0];
	v12 =	vand.u32 $0x7F, v18;
	[tilespmem:s14+$0x50] =	vst v19  }
.LBB2_5:
0xa7: {  	s0 =	sadd.s32 $0x8, s0;
	v13 =	vld.idx.msk [tilespmem:v10+s20+$0x0], $0xffff;
	v10 =	vor.u32 $0x80, v10;
	v14 =	vshll.u32 v2, $0x1;
	v15 =	vor.u32 $0x80, v6;
	s14 =	sadd.s32 $0x100, s14  }
0xa8: {  	v2 =	vand.u32 $0x7F, v2;
	v11 =	vor.u32 v12, v11;
	s15 =	sadd.s32 $0x80, s15;
	p1 =	slt.u32 s0, $0xF8;
	v16 =	vand.u32 $0x7F, v7;
	v6 =	vld.idx.msk [tilespmem:v6+s20+$0x0], $0xffff;
	[tilespmem:s22+$0x30] =	vst v9  }
0xa9: {  	v12 =	vand.u32 $0x7F, v1;
	v17 =	vshll.u32 v1, $0x1;
	v18 =	vor.u32 $0x80, v11;
	v9 =	vld [tilespmem:s15+$0xFFFFFFE0];
	[tilespmem:s22+$0x20] =	vst v3  }
0xaa: {  	v17 =	vand.u32 $0xFFFFFF00, v17;
	v7 =	vshll.u32 v7, $0x1;
	v3 =	vshll.u32 v0, $0x1;
	v1 =	vld [tilespmem:s15+$0xFFFFFFF0];
	[tilespmem:s22+$0x40] =	vst v4  }
0xab: {  	v14 =	vand.u32 $0xFFFFFF00, v14;
	v3 =	vand.u32 $0xFFFFFF00, v3;
	v4 =	vld [tilespmem:s15+$0x30];
	v19 =	vand.u32 $0x7F, v8;
	[tilespmem:s22+$0x10] =	vst v5;
	s22 =	smov.u32 s14  }
0xac: {  	v20 =	vand.u32 $0x7F, v0;
	v12 =	vor.u32 v12, v17;
	v14 =	vor.u32 v2, v14;
	v5 =	vld [tilespmem:s15+$0xFFFFFFC0]  }
0xad: {  	v2 =	vshll.u32 v8, $0x1;
	v3 =	vor.u32 v20, v3;
	[tilespmem:s14+$0xFFFFFF80] =	vst v13;
	v13 =	vand.u32 $0xFFFFFF00, v7;
	v7 =	vld.idx.msk [tilespmem:v11+s20+$0x0], $0xffff  }
0xae: {  	v2 =	vand.u32 $0xFFFFFF00, v2;
	v8 =	vld.idx.msk [tilespmem:v10+s20+$0x0], $0xffff;
	v10 =	vor.u32 v16, v13;
	[tilespmem:s14+$0xFFFFFFF0] =	vst v6;
	v0 =	vmov v9  }
0xaf: {  	v9 =	vor.u32 v19, v2;
	v11 =	vld.idx.msk [tilespmem:v15+s20+$0x0], $0xffff  }
0xb0: {  	v2 =	vld [tilespmem:s15+$0x10];
	v6 =	vand.u32 $0x7F, v4;
	v4 =	vshll.u32 v4, $0x1  }
0xb1: {  	v13 =	vshll.u32 v5, $0x1;
	v4 =	vand.u32 $0xFFFFFF00, v4;
	v15 =	vld.idx.msk [tilespmem:v14+s20+$0x0], $0xffff  }
0xb2: {  	v13 =	vand.u32 $0xFFFFFF00, v13;
	v6 =	vor.u32 v6, v4;
	v4 =	vld.idx.msk [tilespmem:v3+s20+$0x0], $0xffff  }
0xb3: {  	v14 =	vor.u32 $0x80, v14;
	v16 =	vld.idx.msk [tilespmem:v12+s20+$0x0], $0xffff;
	[tilespmem:s14+$0xFFFFFFE0] =	vst v7  }
0xb4: {  	v3 =	vor.u32 $0x80, v3;
	[tilespmem:s14+$0x0] =	vst v8;
	v7 =	vld.idx.msk [tilespmem:v10+s20+$0x0], $0xffff  }
0xb5: {  	v8 =	vor.u32 $0x80, v12;
	v12 =	vld.idx.msk [tilespmem:v18+s20+$0x0], $0xffff;
	[tilespmem:s14+$0x70] =	vst v11  }
0xb6: {  	v11 =	vld.idx.msk [tilespmem:v9+s20+$0x0], $0xffff  }
0xb7: {  	v19 =	vor.u32 $0x80, v10;
	v18 =	vor.u32 $0x80, v9;
	v17 =	vld [tilespmem:s15+$0x20];
	[tilespmem:s14+$0xFFFFFFD0] =	vst v15  }
0xb8: {  	[tilespmem:s14+$0xFFFFFFA0] =	vst v4;
	v14 =	vld.idx.msk [tilespmem:v14+s20+$0x0], $0xffff  }
0xb9: {  	v4 =	vand.u32 $0x7F, v5;
	v3 =	vld.idx.msk [tilespmem:v3+s20+$0x0], $0xffff;
	[tilespmem:s14+$0xFFFFFFB0] =	vst v16  }
.Ltmp1:
0xba: {  	v10 =	vor.u32 v4, v13;
	v9 =	vld.idx.msk [tilespmem:v8+s20+$0x0], $0xffff;
	[tilespmem:s14+$0xFFFFFFC0] =	vst v7;
	(pc) =	sbr.rel @p1 .LBB2_5-.Ltmp1, $4  }
0xbb: {  	v7 =	vld [tilespmem:s15+$0x0];
	[tilespmem:s14+$0x60] =	vst v12  }
0xbc: {  	v5 =	vshll.u32 v17, $0x1;
	[tilespmem:s14+$0xFFFFFF90] =	vst v11;
	v4 =	vld.idx.msk [tilespmem:v19+s20+$0x0], $0xffff  }
0xbd: {  	v11 =	vand.u32 $0xFFFFFF00, v5;
	v5 =	vld.idx.msk [tilespmem:v18+s20+$0x0], $0xffff  }
0xbe: {  	v12 =	vand.u32 $0x7F, v17;
	v8 =	vld [tilespmem:s15+$0xFFFFFFD0];
	[tilespmem:s14+$0x50] =	vst v14  }
0xbf: {  	_ =	sdelay $0x2  }
0xc0: {  	v13 =	vor.u32 $0x80, v10  }
0xc1: {  	v10 =	vld.idx.msk [tilespmem:v10+s20+$0x0], $0xffff;
	v14 =	vshll.u32 v2, $0x1;
	v15 =	vor.u32 $0x80, v6;
	v11 =	vor.u32 v12, v11  }
0xc2: {  	v2 =	vand.u32 $0x7F, v2;
	v6 =	vld.idx.msk [tilespmem:v6+s20+$0x0], $0xffff;
	v16 =	vand.u32 $0x7F, v1;
	v1 =	vshll.u32 v1, $0x1  }
0xc3: {  	v17 =	vshll.u32 v0, $0x1;
	v0 =	vand.u32 $0x7F, v0;
	v14 =	vand.u32 $0xFFFFFF00, v14  }
0xc4: {  	v12 =	vand.u32 $0x7F, v7;
	v1 =	vand.u32 $0xFFFFFF00, v1;
	v2 =	vor.u32 v2, v14  }
0xc5: {  	s0 =	sadd.s32 $0x100, s14;
	[tilespmem:s22+$0x30] =	vst v9;
	v7 =	vshll.u32 v7, $0x1;
	v9 =	vand.u32 $0xFFFFFF00, v17;
	v1 =	vor.u32 v16, v1  }
0xc6: {  	v0 =	vor.u32 v0, v9;
	v7 =	vand.u32 $0xFFFFFF00, v7;
	[tilespmem:s0+$0xFFFFFF80] =	vst v10;
	v10 =	vshll.u32 v8, $0x1;
	v9 =	vld.idx.msk [tilespmem:v11+s20+$0x0], $0xffff  }
0xc7: {  	v7 =	vor.u32 v12, v7;
	v8 =	vand.u32 $0x7F, v8;
	[tilespmem:s0+$0xFFFFFFF0] =	vst v6;
	v13 =	vld.idx.msk [tilespmem:v13+s20+$0x0], $0xffff;
	v10 =	vand.u32 $0xFFFFFF00, v10  }
0xc8: {  	[tilespmem:s22+$0x20] =	vst v3;
	v6 =	vld.idx.msk [tilespmem:v15+s20+$0x0], $0xffff;
	v3 =	vor.u32 v8, v10  }
0xc9: {  	[tilespmem:s22+$0x40] =	vst v4;
	v8 =	vor.u32 $0x80, v11;
	v4 =	vld.idx.msk [tilespmem:v2+s20+$0x0], $0xffff  }
0xca: {  	[tilespmem:s22+$0x10] =	vst v5;
	v5 =	vld.idx.msk [tilespmem:v1+s20+$0x0], $0xffff;
	v2 =	vor.u32 $0x80, v2  }
0xcb: {  	v10 =	vld.idx.msk [tilespmem:v0+s20+$0x0], $0xffff;
	v1 =	vor.u32 $0x80, v1;
	[tilespmem:s0+$0xFFFFFFE0] =	vst v9  }
0xcc: {  	v0 =	vor.u32 $0x80, v0;
	v9 =	vld.idx.msk [tilespmem:v7+s20+$0x0], $0xffff;
	[tilespmem:s0+$0x0] =	vst v13  }
0xcd: {  	v7 =	vor.u32 $0x80, v7;
	[tilespmem:s0+$0x70] =	vst v6;
	v6 =	vld.idx.msk [tilespmem:v3+s20+$0x0], $0xffff  }
0xce: {  	v8 =	vld.idx.msk [tilespmem:v8+s20+$0x0], $0xffff;
	v3 =	vor.u32 $0x80, v3;
	[tilespmem:s0+$0xFFFFFFD0] =	vst v4  }
0xcf: {  	[tilespmem:s0+$0xFFFFFFB0] =	vst v5;
	v2 =	vld.idx.msk [tilespmem:v2+s20+$0x0], $0xffff  }
0xd0: {  	[tilespmem:s0+$0xFFFFFFA0] =	vst v10;
	v1 =	vld.idx.msk [tilespmem:v1+s20+$0x0], $0xffff  }
0xd1: {  	v0 =	vld.idx.msk [tilespmem:v0+s20+$0x0], $0xffff;
	[tilespmem:s0+$0xFFFFFFC0] =	vst v9  }
0xd2: {  	v4 =	vld.idx.msk [tilespmem:v7+s20+$0x0], $0xffff;
	[tilespmem:s0+$0xFFFFFF90] =	vst v6  }
0xd3: {  	s22 =	sshll.u32 s16, $0xC;
	[tilespmem:s0+$0x60] =	vst v8;
	v3 =	vld.idx.msk [tilespmem:v3+s20+$0x0], $0xffff  }
0xd4: {  	s14 =	sand.u32 $0x1F8000, s22;
	[tilespmem:s0+$0x50] =	vst v2  }
0xd5: {  	s14 =	sadd.s32 s12, s14;
	[tilespmem:s0+$0x30] =	vst v1  }
0xd6: {  	s8 =	sor.u32 s8, s14;
	[tilespmem:s0+$0x20] =	vst v0  }
0xd7: {  	s15 =	sadd.s32 s10, s13;
	s8 =	sshrl.u32 s8, $0x3;
	[tilespmem:s0+$0x40] =	vst v4  }
0xd8: {  	s14 =	sadd.s32 s2, s8;
	[tilespmem:s0+$0x10] =	vst v3;
	s0 =	sshll.u32 s15, $0xE  }
0xd9: {  	[hbm4b:s14+s17] =	stream.strided.scatter [tilespmem:s26], [sflag:$0x5], $0x2000, s18, s17, $0x38;
	[tilespmem:$0x1F000] =	vst v63  }
0xda: {  	s0 =	sand.u32 $0x7E0000, s0  }
0xdb: {  	s0 =	sadd.s32 s5, s0  }
0xdc: {  	s0 =	sor.u32 s11, s0  }
0xdd: {  	s0 =	sshrl.u32 s0, $0x3  }
0xde: {  	s0 =	sadd.s32 s1, s0  }
0xdf: {  	[tilespmem:s20], [sflag:$0x2] =	stream.strided.gather [hbm4b:s0+s17], $0x8000, s18, s17, $0x38;
	[tilespmem:$0x1F000] =	vst v63  }
0xe0: {  	_ =	swait.ge [sflag:s28], $0x8000  }
0xe1: {  	[sflag:s28] =	ssyncset.done $0x0  }
0xe2: {  	s0 =	simm.s32 @!p0 $0x6;
	[sflag:s28] =	ssyncadd.s32 $0xFFFF8000  }
0xe3: {  	_ =	swait.ge @!p0 [sflag:s0], $0x2000  }
0xe4: {  	[sflag:s0] =	ssyncset.done @!p0 $0x0  }
0xe5: {  	s16 =	simm.s32 $0x40;
	[sflag:s0] =	ssyncadd.s32 @!p0 $0xFFFFE000  }
0xe6: {  	v0 =	vld [tilespmem:s16+$0xFFFFFFC0]  }
0xe7: {  	v1 =	vld [tilespmem:s16+$0x30];
	_ =	sdelay $0x3  }
0xe8: {  	v4 =	vld [tilespmem:s16+$0x20];
	v2 =	vshll.u32 v0, $0x1  }
0xe9: {  	v5 =	vld [tilespmem:s16+$0xFFFFFFE0];
	v3 =	vshll.u32 v1, $0x1;
	v0 =	vand.u32 $0x7F, v0;
	v2 =	vand.u32 $0xFFFFFF00, v2  }
0xea: {  	v1 =	vand.u32 $0x7F, v1;
	v3 =	vand.u32 $0xFFFFFF00, v3;
	v0 =	vor.u32 v0, v2  }
0xeb: {  	v6 =	vld [tilespmem:s16+$0x0];
	v1 =	vor.u32 v1, v3  }
0xec: {  	v3 =	vld [tilespmem:s16+$0x10]  }
0xed: {  	v7 =	vshll.u32 v4, $0x1;
	v2 =	vld [tilespmem:s16+$0xFFFFFFF0]  }
0xee: {  	v8 =	vld [tilespmem:s16+$0xFFFFFFD0];
	v4 =	vand.u32 $0x7F, v4;
	v14 =	vshll.u32 v5, $0x1;
	v7 =	vand.u32 $0xFFFFFF00, v7  }
0xef: {  	v5 =	vand.u32 $0x7F, v5;
	v14 =	vand.u32 $0xFFFFFF00, v14;
	v4 =	vor.u32 v4, v7;
	v9 =	vld.idx.msk [tilespmem:v0+s21+$0x0], $0xffff  }
0xf0: {  	s14 =	simm.s32 $0xC0;
	v5 =	vor.u32 v5, v14;
	v10 =	vor.u32 $0x80, v0;
	v7 =	vld.idx.msk [tilespmem:v1+s21+$0x0], $0xffff  }
0xf1: {  	v15 =	vld [tilespmem:s14+$0x30];
	v12 =	vor.u32 $0x80, v1;
	v11 =	vshll.u32 v3, $0x1;
	v3 =	vand.u32 $0x7F, v3  }
0xf2: {  	v62 =	vld [tilespmem:s14+$0xFFFFFFC0];
	v13 =	vand.u32 $0x7F, v2;
	v2 =	vshll.u32 v2, $0x1;
	v11 =	vand.u32 $0xFFFFFF00, v11  }
0xf3: {  	s11 =	simm.s32 $0x1D080;
	v18 =	vld [tilespmem:s14+$0x20];
	v2 =	vand.u32 $0xFFFFFF00, v2;
	v3 =	vor.u32 v3, v11;
	v11 =	vshll.u32 v6, $0x1  }
0xf4: {  	v6 =	vand.u32 $0x7F, v6;
	v13 =	vor.u32 v13, v2;
	v2 =	vand.u32 $0xFFFFFF00, v11;
	[tilespmem:s11+$0xFFFFFF80] =	vst v9;
	v9 =	vld.idx.msk [tilespmem:v4+s21+$0x0], $0xffff  }
0xf5: {  	v6 =	vor.u32 v6, v2;
	[tilespmem:s11+$0xFFFFFFF0] =	vst v7;
	v7 =	vshll.u32 v8, $0x1;
	v10 =	vld.idx.msk [tilespmem:v10+s21+$0x0], $0xffff  }
0xf6: {  	v4 =	vor.u32 $0x80, v4;
	v8 =	vand.u32 $0x7F, v8;
	v11 =	vld.idx.msk [tilespmem:v12+s21+$0x0], $0xffff;
	v7 =	vand.u32 $0xFFFFFF00, v7  }
0xf7: {  	v12 =	vld.idx.msk [tilespmem:v5+s21+$0x0], $0xffff;
	v7 =	vor.u32 v8, v7  }
0xf8: {  	v8 =	vld.idx.msk [tilespmem:v3+s21+$0x0], $0xffff  }
0xf9: {  	v14 =	vld.idx.msk [tilespmem:v13+s21+$0x0], $0xffff;
	v3 =	vor.u32 $0x80, v3  }
0xfa: {  	v5 =	vor.u32 $0x80, v5;
	v63 =	vld.idx.msk [tilespmem:v6+s21+$0x0], $0xffff;
	[tilespmem:s11+$0xFFFFFFE0] =	vst v9  }
0xfb: {  	v9 =	vor.u32 $0x80, v13;
	v13 =	vld.idx.msk [tilespmem:v4+s21+$0x0], $0xffff  }
0xfc: {  	v6 =	vor.u32 $0x80, v6;
	[tilespmem:s11+$0x0] =	vst v10;
	v4 =	vld.idx.msk [tilespmem:v7+s21+$0x0], $0xffff  }
0xfd: {  	v0 =	vld [tilespmem:s14+$0xFFFFFFE0];
	[tilespmem:s11+$0xFFFFFFD0] =	vst v8  }
0xfe: {  	[tilespmem:s11+$0xFFFFFFA0] =	vst v12;
	v19 =	vld.idx.msk [tilespmem:v3+s21+$0x0], $0xffff  }
0xff: {  	[tilespmem:s11+$0x70] =	vst v11;
	v10 =	vshll.u32 v62, $0x1;
	v3 =	vld.idx.msk [tilespmem:v5+s21+$0x0], $0xffff;
	v5 =	vshll.u32 v15, $0x1  }
0x100: {  	v2 =	vld [tilespmem:s14+$0x10];
	v11 =	vand.u32 $0x7F, v15;
	v8 =	vor.u32 $0x80, v7;
	[tilespmem:s11+$0xFFFFFFC0] =	vst v63;
	v5 =	vand.u32 $0xFFFFFF00, v5  }
0x101: {  	v10 =	vand.u32 $0xFFFFFF00, v10;
	[tilespmem:s11+$0xFFFFFF90] =	vst v4;
	v4 =	vld.idx.msk [tilespmem:v6+s21+$0x0], $0xffff;
	v6 =	vor.u32 v11, v5;
	v11 =	vand.u32 $0x7F, v62  }
0x102: {  	[tilespmem:s11+$0xFFFFFFB0] =	vst v14;
	v7 =	vld [tilespmem:s14+$0x0];
	v10 =	vor.u32 v11, v10  }
0x103: {  	v9 =	vld.idx.msk [tilespmem:v9+s21+$0x0], $0xffff  }
0x104: {  	s22 =	sadd.s32 $0x4, s10;
	v1 =	vld [tilespmem:s14+$0xFFFFFFF0]  }
0x105: {  	s10 =	sadd.s32 s7, s22;
	s0 =	sshll.u32 s22, $0x7;
	v12 =	vshll.u32 v18, $0x1;
	[tilespmem:s11+$0x60] =	vst v13;
	v5 =	vld.idx.msk [tilespmem:v8+s21+$0x0], $0xffff  }
0x106: {  	s15 =	simm.s32 $0x1D080;
	s8 =	sand.u32 $0x300, s0;
	s0 =	simm.s32 $0x8;
	v11 =	vand.u32 $0xFFFFFF00, v12;
	v8 =	vld [tilespmem:s14+$0xFFFFFFD0];
	v12 =	vand.u32 $0x7F, v18;
	[tilespmem:s11+$0x50] =	vst v19  }
.LBB2_7:
0x107: {  	s0 =	sadd.s32 $0x8, s0;
	v13 =	vld.idx.msk [tilespmem:v10+s21+$0x0], $0xffff;
	v10 =	vor.u32 $0x80, v10;
	v14 =	vshll.u32 v2, $0x1;
	v15 =	vor.u32 $0x80, v6;
	s11 =	sadd.s32 $0x100, s11  }
0x108: {  	v2 =	vand.u32 $0x7F, v2;
	v11 =	vor.u32 v12, v11;
	s14 =	sadd.s32 $0x80, s14;
	p0 =	slt.u32 s0, $0xF8;
	v16 =	vand.u32 $0x7F, v7;
	v6 =	vld.idx.msk [tilespmem:v6+s21+$0x0], $0xffff;
	[tilespmem:s15+$0x30] =	vst v9  }
0x109: {  	v12 =	vand.u32 $0x7F, v1;
	v17 =	vshll.u32 v1, $0x1;
	v18 =	vor.u32 $0x80, v11;
	v9 =	vld [tilespmem:s14+$0xFFFFFFE0];
	[tilespmem:s15+$0x20] =	vst v3  }
0x10a: {  	v17 =	vand.u32 $0xFFFFFF00, v17;
	v7 =	vshll.u32 v7, $0x1;
	v3 =	vshll.u32 v0, $0x1;
	v1 =	vld [tilespmem:s14+$0xFFFFFFF0];
	[tilespmem:s15+$0x40] =	vst v4  }
0x10b: {  	v14 =	vand.u32 $0xFFFFFF00, v14;
	v3 =	vand.u32 $0xFFFFFF00, v3;
	v4 =	vld [tilespmem:s14+$0x30];
	v19 =	vand.u32 $0x7F, v8;
	[tilespmem:s15+$0x10] =	vst v5;
	s15 =	smov.u32 s11  }
0x10c: {  	v20 =	vand.u32 $0x7F, v0;
	v12 =	vor.u32 v12, v17;
	v14 =	vor.u32 v2, v14;
	v5 =	vld [tilespmem:s14+$0xFFFFFFC0]  }
0x10d: {  	v2 =	vshll.u32 v8, $0x1;
	v3 =	vor.u32 v20, v3;
	[tilespmem:s11+$0xFFFFFF80] =	vst v13;
	v13 =	vand.u32 $0xFFFFFF00, v7;
	v7 =	vld.idx.msk [tilespmem:v11+s21+$0x0], $0xffff  }
0x10e: {  	v2 =	vand.u32 $0xFFFFFF00, v2;
	v8 =	vld.idx.msk [tilespmem:v10+s21+$0x0], $0xffff;
	v10 =	vor.u32 v16, v13;
	[tilespmem:s11+$0xFFFFFFF0] =	vst v6;
	v0 =	vmov v9  }
0x10f: {  	v9 =	vor.u32 v19, v2;
	v11 =	vld.idx.msk [tilespmem:v15+s21+$0x0], $0xffff  }
0x110: {  	v2 =	vld [tilespmem:s14+$0x10];
	v6 =	vand.u32 $0x7F, v4;
	v4 =	vshll.u32 v4, $0x1  }
0x111: {  	v13 =	vshll.u32 v5, $0x1;
	v4 =	vand.u32 $0xFFFFFF00, v4;
	v15 =	vld.idx.msk [tilespmem:v14+s21+$0x0], $0xffff  }
0x112: {  	v13 =	vand.u32 $0xFFFFFF00, v13;
	v6 =	vor.u32 v6, v4;
	v4 =	vld.idx.msk [tilespmem:v3+s21+$0x0], $0xffff  }
0x113: {  	v14 =	vor.u32 $0x80, v14;
	v16 =	vld.idx.msk [tilespmem:v12+s21+$0x0], $0xffff;
	[tilespmem:s11+$0xFFFFFFE0] =	vst v7  }
0x114: {  	v3 =	vor.u32 $0x80, v3;
	[tilespmem:s11+$0x0] =	vst v8;
	v7 =	vld.idx.msk [tilespmem:v10+s21+$0x0], $0xffff  }
0x115: {  	v8 =	vor.u32 $0x80, v12;
	v12 =	vld.idx.msk [tilespmem:v18+s21+$0x0], $0xffff;
	[tilespmem:s11+$0x70] =	vst v11  }
0x116: {  	v11 =	vld.idx.msk [tilespmem:v9+s21+$0x0], $0xffff  }
0x117: {  	v19 =	vor.u32 $0x80, v10;
	v18 =	vor.u32 $0x80, v9;
	v17 =	vld [tilespmem:s14+$0x20];
	[tilespmem:s11+$0xFFFFFFD0] =	vst v15  }
0x118: {  	[tilespmem:s11+$0xFFFFFFA0] =	vst v4;
	v14 =	vld.idx.msk [tilespmem:v14+s21+$0x0], $0xffff  }
0x119: {  	v4 =	vand.u32 $0x7F, v5;
	v3 =	vld.idx.msk [tilespmem:v3+s21+$0x0], $0xffff;
	[tilespmem:s11+$0xFFFFFFB0] =	vst v16  }
.Ltmp2:
0x11a: {  	v10 =	vor.u32 v4, v13;
	v9 =	vld.idx.msk [tilespmem:v8+s21+$0x0], $0xffff;
	[tilespmem:s11+$0xFFFFFFC0] =	vst v7;
	(pc) =	sbr.rel @p0 .LBB2_7-.Ltmp2, $4  }
0x11b: {  	v7 =	vld [tilespmem:s14+$0x0];
	[tilespmem:s11+$0x60] =	vst v12  }
0x11c: {  	v5 =	vshll.u32 v17, $0x1;
	[tilespmem:s11+$0xFFFFFF90] =	vst v11;
	v4 =	vld.idx.msk [tilespmem:v19+s21+$0x0], $0xffff  }
0x11d: {  	v11 =	vand.u32 $0xFFFFFF00, v5;
	v5 =	vld.idx.msk [tilespmem:v18+s21+$0x0], $0xffff  }
0x11e: {  	v12 =	vand.u32 $0x7F, v17;
	v8 =	vld [tilespmem:s14+$0xFFFFFFD0];
	[tilespmem:s11+$0x50] =	vst v14  }
0x11f: {  	_ =	sdelay $0x2  }
0x120: {  	v13 =	vor.u32 $0x80, v10  }
0x121: {  	v44 =	vld.idx.msk [tilespmem:v10+s21+$0x0], $0xffff;
	v14 =	vshll.u32 v2, $0x1;
	v15 =	vor.u32 $0x80, v6;
	v11 =	vor.u32 v12, v11  }
0x122: {  	v46 =	vand.u32 $0x7F, v2;
	v47 =	vld.idx.msk [tilespmem:v6+s21+$0x0], $0xffff;
	v16 =	vand.u32 $0x7F, v1;
	v48 =	vshll.u32 v1, $0x1  }
0x123: {  	v49 =	vshll.u32 v0, $0x1;
	v52 =	vand.u32 $0x7F, v0;
	v14 =	vand.u32 $0xFFFFFF00, v14  }
0x124: {  	v45 =	vand.u32 $0x7F, v7;
	v1 =	vand.u32 $0xFFFFFF00, v48;
	v2 =	vor.u32 v46, v14  }
0x125: {  	s0 =	sadd.s32 $0x100, s11;
	[tilespmem:s15+$0x30] =	vst v9;
	v50 =	vshll.u32 v7, $0x1;
	v51 =	vand.u32 $0xFFFFFF00, v49;
	v1 =	vor.u32 v16, v1  }
0x126: {  	v0 =	vor.u32 v52, v51;
	v7 =	vand.u32 $0xFFFFFF00, v50;
	v53 =	vshll.u32 v8, $0x1;
	[tilespmem:s0+$0xFFFFFF80] =	vst v44;
	v54 =	vld.idx.msk [tilespmem:v11+s21+$0x0], $0xffff  }
0x127: {  	v7 =	vor.u32 v45, v7;
	v55 =	vand.u32 $0x7F, v8;
	v10 =	vand.u32 $0xFFFFFF00, v53;
	[tilespmem:s0+$0xFFFFFFF0] =	vst v47;
	v13 =	vld.idx.msk [tilespmem:v13+s21+$0x0], $0xffff  }
0x128: {  	[tilespmem:s15+$0x20] =	vst v3;
	v56 =	vor.u32 v55, v10;
	v6 =	vld.idx.msk [tilespmem:v15+s21+$0x0], $0xffff  }
0x129: {  	v57 =	vor.u32 $0x80, v11;
	[tilespmem:s15+$0x40] =	vst v4;
	v58 =	vld.idx.msk [tilespmem:v2+s21+$0x0], $0xffff  }
0x12a: {  	[tilespmem:s15+$0x10] =	vst v5;
	v59 =	vld.idx.msk [tilespmem:v1+s21+$0x0], $0xffff;
	v2 =	vor.u32 $0x80, v2  }
0x12b: {  	v60 =	vld.idx.msk [tilespmem:v0+s21+$0x0], $0xffff;
	v1 =	vor.u32 $0x80, v1;
	[tilespmem:s0+$0xFFFFFFE0] =	vst v54  }
0x12c: {  	v0 =	vor.u32 $0x80, v0;
	v61 =	vld.idx.msk [tilespmem:v7+s21+$0x0], $0xffff;
	[tilespmem:s0+$0x0] =	vst v13  }
0x12d: {  	v7 =	vor.u32 $0x80, v7;
	[tilespmem:s0+$0x70] =	vst v6;
	v62 =	vld.idx.msk [tilespmem:v56+s21+$0x0], $0xffff  }
0x12e: {  	v3 =	vor.u32 $0x80, v56;
	v8 =	vld.idx.msk [tilespmem:v57+s21+$0x0], $0xffff;
	[tilespmem:s0+$0xFFFFFFD0] =	vst v58  }
0x12f: {  	[tilespmem:s0+$0xFFFFFFB0] =	vst v59;
	v2 =	vld.idx.msk [tilespmem:v2+s21+$0x0], $0xffff  }
0x130: {  	[tilespmem:s0+$0xFFFFFFA0] =	vst v60;
	v1 =	vld.idx.msk [tilespmem:v1+s21+$0x0], $0xffff  }
0x131: {  	v0 =	vld.idx.msk [tilespmem:v0+s21+$0x0], $0xffff;
	[tilespmem:s0+$0xFFFFFFC0] =	vst v61  }
0x132: {  	v63 =	vld.idx.msk [tilespmem:v7+s21+$0x0], $0xffff;
	[tilespmem:s0+$0xFFFFFF90] =	vst v62  }
0x133: {  	s10 =	sshll.u32 s10, $0xC;
	[tilespmem:s0+$0x60] =	vst v8;
	v3 =	vld.idx.msk [tilespmem:v3+s21+$0x0], $0xffff  }
0x134: {  	p0 =	seq.s32 s4, $0x9;
	s10 =	sand.u32 $0x1F8000, s10;
	[tilespmem:s0+$0x50] =	vst v2  }
.Ltmp3:
0x135: {  	s10 =	sadd.s32 s12, s10;
	[tilespmem:s0+$0x30] =	vst v1;
	(pc) =	sbr.rel @p0 .LBB2_10-.Ltmp3, $4  }
0x136: {  	s8 =	sor.u32 s8, s10;
	[tilespmem:s0+$0x20] =	vst v0  }
0x137: {  	s8 =	sshrl.u32 s8, $0x3;
	[tilespmem:s0+$0x40] =	vst v63  }
0x138: {  	s22 =	sadd.s32 s2, s8;
	[tilespmem:s0+$0x10] =	vst v3  }
0x139: {  	[hbm4b:s22+s17] =	stream.strided.scatter [tilespmem:s29], [sflag:$0x6], $0x2000, s18, s17, $0x38;
	[tilespmem:$0x1F000] =	vst v63  }
0x13a: {  	s0 =	sadd.s32 $0x5, s9  }
0x13b: {  	s8 =	sshll.u32 s0, $0xF  }
0x13c: {  	s8 =	sadd.s32 s6, s8  }
0x13d: {  	s0 =	sshll.u32 s0, $0x8;
	s8 =	sand.u32 $0x7E0000, s8  }
.Ltmp4:
0x13e: {  	s0 =	sand.u32 $0x300, s0;
	s8 =	sadd.s32 s5, s8;
	(pc) =	sbr.rel .LBB2_2-.Ltmp4, $4  }
0x13f: {  	s0 =	sor.u32 s0, s8  }
0x140: {  	s0 =	sshrl.u32 s0, $0x3  }
0x141: {  	s4 =	sadd.s32 $0x1, s4;
	s0 =	sadd.s32 s1, s0  }
0x142: {  	[tilespmem:s21], [sflag:$0x3] =	stream.strided.gather [hbm4b:s0+s17], $0x8000, s18, s17, $0x38;
	[tilespmem:$0x1F000] =	vst v63  }
.LBB2_10:
0x143: {  	_ =	swait.ge [sflag:s23], $0x8000  }
0x144: {  	[sflag:s23] =	ssyncset.done $0x0  }
0x145: {  	[sflag:s23] =	ssyncadd.s32 $0xFFFF8000  }
0x146: {  	_ =	swait.ge [sflag:s30], $0x2000  }
0x147: {  	[sflag:s30] =	ssyncset.done $0x0  }
0x148: {  	s0 =	simm.s32 $0x40;
	[sflag:s30] =	ssyncadd.s32 $0xFFFFE000  }
0x149: {  	v0 =	vld [tilespmem:s0+$0xFFFFFFC0]  }
0x14a: {  	v1 =	vld [tilespmem:s0+$0x30];
	_ =	sdelay $0x3  }
0x14b: {  	v4 =	vld [tilespmem:s0+$0x20];
	v2 =	vshll.u32 v0, $0x1  }
0x14c: {  	v5 =	vld [tilespmem:s0+$0xFFFFFFE0];
	v3 =	vshll.u32 v1, $0x1;
	v0 =	vand.u32 $0x7F, v0;
	v2 =	vand.u32 $0xFFFFFF00, v2  }
0x14d: {  	v1 =	vand.u32 $0x7F, v1;
	v3 =	vand.u32 $0xFFFFFF00, v3;
	v0 =	vor.u32 v0, v2  }
0x14e: {  	v6 =	vld [tilespmem:s0+$0x0];
	v1 =	vor.u32 v1, v3  }
0x14f: {  	v3 =	vld [tilespmem:s0+$0x10]  }
0x150: {  	v7 =	vshll.u32 v4, $0x1;
	v2 =	vld [tilespmem:s0+$0xFFFFFFF0]  }
0x151: {  	v8 =	vld [tilespmem:s0+$0xFFFFFFD0];
	v4 =	vand.u32 $0x7F, v4;
	v14 =	vshll.u32 v5, $0x1;
	v7 =	vand.u32 $0xFFFFFF00, v7  }
0x152: {  	v5 =	vand.u32 $0x7F, v5;
	v14 =	vand.u32 $0xFFFFFF00, v14;
	v4 =	vor.u32 v4, v7;
	v9 =	vld.idx.msk [tilespmem:v0+s19+$0x0], $0xffff  }
0x153: {  	s9 =	simm.s32 $0xC0;
	v5 =	vor.u32 v5, v14;
	v10 =	vor.u32 $0x80, v0;
	v7 =	vld.idx.msk [tilespmem:v1+s19+$0x0], $0xffff  }
0x154: {  	v15 =	vld [tilespmem:s9+$0x30];
	v12 =	vor.u32 $0x80, v1;
	v11 =	vshll.u32 v3, $0x1;
	v3 =	vand.u32 $0x7F, v3  }
0x155: {  	v16 =	vld [tilespmem:s9+$0xFFFFFFC0];
	v13 =	vand.u32 $0x7F, v2;
	v2 =	vshll.u32 v2, $0x1;
	v11 =	vand.u32 $0xFFFFFF00, v11  }
0x156: {  	s4 =	simm.s32 $0x19080;
	v18 =	vld [tilespmem:s9+$0x20];
	v2 =	vand.u32 $0xFFFFFF00, v2;
	v3 =	vor.u32 v3, v11;
	v11 =	vshll.u32 v6, $0x1  }
0x157: {  	v6 =	vand.u32 $0x7F, v6;
	v13 =	vor.u32 v13, v2;
	v2 =	vand.u32 $0xFFFFFF00, v11;
	[tilespmem:s4+$0xFFFFFF80] =	vst v9;
	v9 =	vld.idx.msk [tilespmem:v4+s19+$0x0], $0xffff  }
0x158: {  	v6 =	vor.u32 v6, v2;
	[tilespmem:s4+$0xFFFFFFF0] =	vst v7;
	v7 =	vshll.u32 v8, $0x1;
	v10 =	vld.idx.msk [tilespmem:v10+s19+$0x0], $0xffff  }
0x159: {  	v4 =	vor.u32 $0x80, v4;
	v8 =	vand.u32 $0x7F, v8;
	v11 =	vld.idx.msk [tilespmem:v12+s19+$0x0], $0xffff;
	v7 =	vand.u32 $0xFFFFFF00, v7  }
0x15a: {  	v12 =	vld.idx.msk [tilespmem:v5+s19+$0x0], $0xffff;
	v7 =	vor.u32 v8, v7  }
0x15b: {  	v8 =	vld.idx.msk [tilespmem:v3+s19+$0x0], $0xffff  }
0x15c: {  	v14 =	vld.idx.msk [tilespmem:v13+s19+$0x0], $0xffff;
	v3 =	vor.u32 $0x80, v3  }
0x15d: {  	v5 =	vor.u32 $0x80, v5;
	v17 =	vld.idx.msk [tilespmem:v6+s19+$0x0], $0xffff;
	[tilespmem:s4+$0xFFFFFFE0] =	vst v9  }
0x15e: {  	v9 =	vor.u32 $0x80, v13;
	v13 =	vld.idx.msk [tilespmem:v4+s19+$0x0], $0xffff  }
0x15f: {  	v6 =	vor.u32 $0x80, v6;
	[tilespmem:s4+$0x0] =	vst v10;
	v4 =	vld.idx.msk [tilespmem:v7+s19+$0x0], $0xffff  }
0x160: {  	v0 =	vld [tilespmem:s9+$0xFFFFFFE0];
	[tilespmem:s4+$0xFFFFFFD0] =	vst v8  }
0x161: {  	[tilespmem:s4+$0xFFFFFFA0] =	vst v12;
	v19 =	vld.idx.msk [tilespmem:v3+s19+$0x0], $0xffff  }
0x162: {  	[tilespmem:s4+$0x70] =	vst v11;
	v10 =	vshll.u32 v16, $0x1;
	v3 =	vld.idx.msk [tilespmem:v5+s19+$0x0], $0xffff;
	v5 =	vshll.u32 v15, $0x1  }
0x163: {  	v2 =	vld [tilespmem:s9+$0x10];
	v11 =	vand.u32 $0x7F, v15;
	v7 =	vor.u32 $0x80, v7;
	[tilespmem:s4+$0xFFFFFFC0] =	vst v17;
	v5 =	vand.u32 $0xFFFFFF00, v5  }
0x164: {  	v10 =	vand.u32 $0xFFFFFF00, v10;
	[tilespmem:s4+$0xFFFFFF90] =	vst v4;
	v4 =	vld.idx.msk [tilespmem:v6+s19+$0x0], $0xffff;
	v6 =	vor.u32 v11, v5;
	v11 =	vand.u32 $0x7F, v16  }
0x165: {  	[tilespmem:s4+$0xFFFFFFB0] =	vst v14;
	v8 =	vld [tilespmem:s9+$0x0];
	v10 =	vor.u32 v11, v10  }
0x166: {  	v9 =	vld.idx.msk [tilespmem:v9+s19+$0x0], $0xffff  }
0x167: {  	v1 =	vld [tilespmem:s9+$0xFFFFFFF0]  }
0x168: {  	v12 =	vshll.u32 v18, $0x1;
	[tilespmem:s4+$0x60] =	vst v13;
	v5 =	vld.idx.msk [tilespmem:v7+s19+$0x0], $0xffff  }
0x169: {  	s8 =	simm.s32 $0x19080;
	s0 =	simm.s32 $0x8;
	v11 =	vand.u32 $0xFFFFFF00, v12;
	v7 =	vld [tilespmem:s9+$0xFFFFFFD0];
	v12 =	vand.u32 $0x7F, v18;
	[tilespmem:s4+$0x50] =	vst v19  }
.LBB2_11:
0x16a: {  	s0 =	sadd.s32 $0x8, s0;
	v13 =	vld.idx.msk [tilespmem:v10+s19+$0x0], $0xffff;
	v10 =	vor.u32 $0x80, v10;
	v14 =	vshll.u32 v2, $0x1;
	v15 =	vor.u32 $0x80, v6;
	s4 =	sadd.s32 $0x100, s4  }
0x16b: {  	v2 =	vand.u32 $0x7F, v2;
	v11 =	vor.u32 v12, v11;
	s9 =	sadd.s32 $0x80, s9;
	p0 =	slt.u32 s0, $0xF8;
	v16 =	vand.u32 $0x7F, v8;
	v6 =	vld.idx.msk [tilespmem:v6+s19+$0x0], $0xffff;
	[tilespmem:s8+$0x30] =	vst v9  }
0x16c: {  	v12 =	vand.u32 $0x7F, v1;
	v17 =	vshll.u32 v1, $0x1;
	v18 =	vor.u32 $0x80, v11;
	v9 =	vld [tilespmem:s9+$0xFFFFFFE0];
	[tilespmem:s8+$0x20] =	vst v3  }
0x16d: {  	v17 =	vand.u32 $0xFFFFFF00, v17;
	v8 =	vshll.u32 v8, $0x1;
	v3 =	vshll.u32 v0, $0x1;
	v1 =	vld [tilespmem:s9+$0xFFFFFFF0];
	[tilespmem:s8+$0x40] =	vst v4  }
0x16e: {  	v14 =	vand.u32 $0xFFFFFF00, v14;
	v3 =	vand.u32 $0xFFFFFF00, v3;
	v4 =	vld [tilespmem:s9+$0x30];
	v19 =	vand.u32 $0x7F, v7;
	[tilespmem:s8+$0x10] =	vst v5;
	s8 =	smov.u32 s4  }
0x16f: {  	v20 =	vand.u32 $0x7F, v0;
	v12 =	vor.u32 v12, v17;
	v14 =	vor.u32 v2, v14;
	v5 =	vld [tilespmem:s9+$0xFFFFFFC0]  }
0x170: {  	v2 =	vshll.u32 v7, $0x1;
	v3 =	vor.u32 v20, v3;
	[tilespmem:s4+$0xFFFFFF80] =	vst v13;
	v13 =	vand.u32 $0xFFFFFF00, v8;
	v7 =	vld.idx.msk [tilespmem:v11+s19+$0x0], $0xffff  }
0x171: {  	v2 =	vand.u32 $0xFFFFFF00, v2;
	v8 =	vld.idx.msk [tilespmem:v10+s19+$0x0], $0xffff;
	v10 =	vor.u32 v16, v13;
	[tilespmem:s4+$0xFFFFFFF0] =	vst v6;
	v0 =	vmov v9  }
0x172: {  	v9 =	vor.u32 v19, v2;
	v11 =	vld.idx.msk [tilespmem:v15+s19+$0x0], $0xffff  }
0x173: {  	v2 =	vld [tilespmem:s9+$0x10];
	v6 =	vand.u32 $0x7F, v4;
	v4 =	vshll.u32 v4, $0x1  }
0x174: {  	v13 =	vshll.u32 v5, $0x1;
	v4 =	vand.u32 $0xFFFFFF00, v4;
	v15 =	vld.idx.msk [tilespmem:v14+s19+$0x0], $0xffff  }
0x175: {  	v13 =	vand.u32 $0xFFFFFF00, v13;
	v6 =	vor.u32 v6, v4;
	v4 =	vld.idx.msk [tilespmem:v3+s19+$0x0], $0xffff  }
0x176: {  	v14 =	vor.u32 $0x80, v14;
	v16 =	vld.idx.msk [tilespmem:v12+s19+$0x0], $0xffff;
	[tilespmem:s4+$0xFFFFFFE0] =	vst v7  }
0x177: {  	v3 =	vor.u32 $0x80, v3;
	[tilespmem:s4+$0x0] =	vst v8;
	v7 =	vld.idx.msk [tilespmem:v10+s19+$0x0], $0xffff  }
0x178: {  	v8 =	vor.u32 $0x80, v12;
	v12 =	vld.idx.msk [tilespmem:v18+s19+$0x0], $0xffff;
	[tilespmem:s4+$0x70] =	vst v11  }
0x179: {  	v11 =	vld.idx.msk [tilespmem:v9+s19+$0x0], $0xffff  }
0x17a: {  	v19 =	vor.u32 $0x80, v10;
	v18 =	vor.u32 $0x80, v9;
	v17 =	vld [tilespmem:s9+$0x20];
	[tilespmem:s4+$0xFFFFFFD0] =	vst v15  }
0x17b: {  	[tilespmem:s4+$0xFFFFFFA0] =	vst v4;
	v14 =	vld.idx.msk [tilespmem:v14+s19+$0x0], $0xffff  }
0x17c: {  	v4 =	vand.u32 $0x7F, v5;
	v3 =	vld.idx.msk [tilespmem:v3+s19+$0x0], $0xffff;
	[tilespmem:s4+$0xFFFFFFB0] =	vst v16  }
.Ltmp5:
0x17d: {  	v10 =	vor.u32 v4, v13;
	v9 =	vld.idx.msk [tilespmem:v8+s19+$0x0], $0xffff;
	[tilespmem:s4+$0xFFFFFFC0] =	vst v7;
	(pc) =	sbr.rel @p0 .LBB2_11-.Ltmp5, $4  }
0x17e: {  	v8 =	vld [tilespmem:s9+$0x0];
	[tilespmem:s4+$0x60] =	vst v12  }
0x17f: {  	v5 =	vshll.u32 v17, $0x1;
	[tilespmem:s4+$0xFFFFFF90] =	vst v11;
	v4 =	vld.idx.msk [tilespmem:v19+s19+$0x0], $0xffff  }
0x180: {  	v11 =	vand.u32 $0xFFFFFF00, v5;
	v5 =	vld.idx.msk [tilespmem:v18+s19+$0x0], $0xffff  }
0x181: {  	v12 =	vand.u32 $0x7F, v17;
	v7 =	vld [tilespmem:s9+$0xFFFFFFD0];
	[tilespmem:s4+$0x50] =	vst v14  }
0x182: {  	_ =	sdelay $0x2  }
0x183: {  	v13 =	vor.u32 $0x80, v10  }
0x184: {  	v10 =	vld.idx.msk [tilespmem:v10+s19+$0x0], $0xffff;
	v14 =	vshll.u32 v2, $0x1;
	v15 =	vor.u32 $0x80, v6;
	v11 =	vor.u32 v12, v11  }
0x185: {  	v2 =	vand.u32 $0x7F, v2;
	v6 =	vld.idx.msk [tilespmem:v6+s19+$0x0], $0xffff;
	v16 =	vand.u32 $0x7F, v1;
	v1 =	vshll.u32 v1, $0x1  }
0x186: {  	v17 =	vshll.u32 v0, $0x1;
	v0 =	vand.u32 $0x7F, v0;
	v14 =	vand.u32 $0xFFFFFF00, v14  }
0x187: {  	v12 =	vand.u32 $0x7F, v8;
	v1 =	vand.u32 $0xFFFFFF00, v1;
	v2 =	vor.u32 v2, v14  }
0x188: {  	s0 =	sadd.s32 $0x100, s4;
	[tilespmem:s8+$0x30] =	vst v9;
	v8 =	vshll.u32 v8, $0x1;
	v9 =	vand.u32 $0xFFFFFF00, v17;
	v1 =	vor.u32 v16, v1  }
0x189: {  	v0 =	vor.u32 v0, v9;
	v8 =	vand.u32 $0xFFFFFF00, v8;
	[tilespmem:s0+$0xFFFFFF80] =	vst v10;
	v10 =	vshll.u32 v7, $0x1;
	v9 =	vld.idx.msk [tilespmem:v11+s19+$0x0], $0xffff  }
0x18a: {  	v8 =	vor.u32 v12, v8;
	v7 =	vand.u32 $0x7F, v7;
	[tilespmem:s0+$0xFFFFFFF0] =	vst v6;
	v13 =	vld.idx.msk [tilespmem:v13+s19+$0x0], $0xffff;
	v10 =	vand.u32 $0xFFFFFF00, v10  }
0x18b: {  	[tilespmem:s8+$0x20] =	vst v3;
	v6 =	vld.idx.msk [tilespmem:v15+s19+$0x0], $0xffff;
	v3 =	vor.u32 v7, v10  }
0x18c: {  	[tilespmem:s8+$0x40] =	vst v4;
	v7 =	vor.u32 $0x80, v11;
	v4 =	vld.idx.msk [tilespmem:v2+s19+$0x0], $0xffff  }
0x18d: {  	[tilespmem:s8+$0x10] =	vst v5;
	v5 =	vld.idx.msk [tilespmem:v1+s19+$0x0], $0xffff;
	v2 =	vor.u32 $0x80, v2  }
0x18e: {  	v10 =	vld.idx.msk [tilespmem:v0+s19+$0x0], $0xffff;
	v1 =	vor.u32 $0x80, v1;
	[tilespmem:s0+$0xFFFFFFE0] =	vst v9  }
0x18f: {  	v0 =	vor.u32 $0x80, v0;
	v9 =	vld.idx.msk [tilespmem:v8+s19+$0x0], $0xffff;
	[tilespmem:s0+$0x0] =	vst v13  }
0x190: {  	v8 =	vor.u32 $0x80, v8;
	[tilespmem:s0+$0x70] =	vst v6;
	v6 =	vld.idx.msk [tilespmem:v3+s19+$0x0], $0xffff  }
0x191: {  	v7 =	vld.idx.msk [tilespmem:v7+s19+$0x0], $0xffff;
	v3 =	vor.u32 $0x80, v3;
	[tilespmem:s0+$0xFFFFFFD0] =	vst v4  }
0x192: {  	[tilespmem:s0+$0xFFFFFFB0] =	vst v5;
	v2 =	vld.idx.msk [tilespmem:v2+s19+$0x0], $0xffff  }
0x193: {  	[tilespmem:s0+$0xFFFFFFA0] =	vst v10;
	v1 =	vld.idx.msk [tilespmem:v1+s19+$0x0], $0xffff  }
0x194: {  	v0 =	vld.idx.msk [tilespmem:v0+s19+$0x0], $0xffff;
	[tilespmem:s0+$0xFFFFFFC0] =	vst v9  }
0x195: {  	v4 =	vld.idx.msk [tilespmem:v8+s19+$0x0], $0xffff;
	[tilespmem:s0+$0xFFFFFF90] =	vst v6  }
0x196: {  	[tilespmem:s0+$0x60] =	vst v7;
	v3 =	vld.idx.msk [tilespmem:v3+s19+$0x0], $0xffff  }
0x197: {  	[tilespmem:s0+$0x50] =	vst v2  }
0x198: {  	[tilespmem:s0+$0x30] =	vst v1  }
0x199: {  	[tilespmem:s0+$0x20] =	vst v0  }
0x19a: {  	[tilespmem:s0+$0x40] =	vst v4  }
0x19b: {  	[tilespmem:s0+$0x10] =	vst v3  }
0x19c: {  	s0 =	rddreg [dreg:$0x8]  }
0x19d: {  	[hbm4b:s0+s17] =	stream.strided.scatter [tilespmem:s24], [sflag:$0x4], $0x2000, s18, s17, $0x38;
	[tilespmem:$0x1F000] =	vst v63  }
0x19e: {  	_ =	swait.ge [sflag:s25], $0x8000  }
0x19f: {  	[sflag:s25] =	ssyncset.done $0x0  }
0x1a0: {  	[sflag:s25] =	ssyncadd.s32 $0xFFFF8000  }
0x1a1: {  	_ =	swait.ge [sflag:s31], $0x2000  }
0x1a2: {  	[sflag:s31] =	ssyncset.done $0x0  }
0x1a3: {  	s22 =	simm.s32 $0x40;
	[sflag:s31] =	ssyncadd.s32 $0xFFFFE000  }
0x1a4: {  	v0 =	vld [tilespmem:s22+$0xFFFFFFC0]  }
0x1a5: {  	v1 =	vld [tilespmem:s22+$0x30];
	_ =	sdelay $0x3  }
0x1a6: {  	v4 =	vld [tilespmem:s22+$0x20];
	v2 =	vshll.u32 v0, $0x1  }
0x1a7: {  	v5 =	vld [tilespmem:s22+$0xFFFFFFE0];
	v3 =	vshll.u32 v1, $0x1;
	v0 =	vand.u32 $0x7F, v0;
	v2 =	vand.u32 $0xFFFFFF00, v2  }
0x1a8: {  	v1 =	vand.u32 $0x7F, v1;
	v3 =	vand.u32 $0xFFFFFF00, v3;
	v0 =	vor.u32 v0, v2  }
0x1a9: {  	v6 =	vld [tilespmem:s22+$0x0];
	v1 =	vor.u32 v1, v3  }
0x1aa: {  	v3 =	vld [tilespmem:s22+$0x10]  }
0x1ab: {  	v7 =	vshll.u32 v4, $0x1;
	v2 =	vld [tilespmem:s22+$0xFFFFFFF0]  }
0x1ac: {  	v8 =	vld [tilespmem:s22+$0xFFFFFFD0];
	v4 =	vand.u32 $0x7F, v4;
	v14 =	vshll.u32 v5, $0x1;
	v7 =	vand.u32 $0xFFFFFF00, v7  }
0x1ad: {  	v5 =	vand.u32 $0x7F, v5;
	v14 =	vand.u32 $0xFFFFFF00, v14;
	v4 =	vor.u32 v4, v7;
	v9 =	vld.idx.msk [tilespmem:v0+s20+$0x0], $0xffff  }
0x1ae: {  	s9 =	simm.s32 $0xC0;
	v5 =	vor.u32 v5, v14;
	v10 =	vor.u32 $0x80, v0;
	v7 =	vld.idx.msk [tilespmem:v1+s20+$0x0], $0xffff  }
0x1af: {  	v15 =	vld [tilespmem:s9+$0x30];
	v12 =	vor.u32 $0x80, v1;
	v11 =	vshll.u32 v3, $0x1;
	v3 =	vand.u32 $0x7F, v3  }
0x1b0: {  	v62 =	vld [tilespmem:s9+$0xFFFFFFC0];
	v13 =	vand.u32 $0x7F, v2;
	v2 =	vshll.u32 v2, $0x1;
	v11 =	vand.u32 $0xFFFFFF00, v11  }
0x1b1: {  	s4 =	simm.s32 $0x1B080;
	v18 =	vld [tilespmem:s9+$0x20];
	v2 =	vand.u32 $0xFFFFFF00, v2;
	v3 =	vor.u32 v3, v11;
	v11 =	vshll.u32 v6, $0x1  }
0x1b2: {  	v6 =	vand.u32 $0x7F, v6;
	v13 =	vor.u32 v13, v2;
	v2 =	vand.u32 $0xFFFFFF00, v11;
	[tilespmem:s4+$0xFFFFFF80] =	vst v9;
	v9 =	vld.idx.msk [tilespmem:v4+s20+$0x0], $0xffff  }
0x1b3: {  	v6 =	vor.u32 v6, v2;
	[tilespmem:s4+$0xFFFFFFF0] =	vst v7;
	v7 =	vshll.u32 v8, $0x1;
	v10 =	vld.idx.msk [tilespmem:v10+s20+$0x0], $0xffff  }
0x1b4: {  	v4 =	vor.u32 $0x80, v4;
	v8 =	vand.u32 $0x7F, v8;
	v11 =	vld.idx.msk [tilespmem:v12+s20+$0x0], $0xffff;
	v7 =	vand.u32 $0xFFFFFF00, v7  }
0x1b5: {  	v12 =	vld.idx.msk [tilespmem:v5+s20+$0x0], $0xffff;
	v7 =	vor.u32 v8, v7  }
0x1b6: {  	v8 =	vld.idx.msk [tilespmem:v3+s20+$0x0], $0xffff  }
0x1b7: {  	v14 =	vld.idx.msk [tilespmem:v13+s20+$0x0], $0xffff;
	v3 =	vor.u32 $0x80, v3  }
0x1b8: {  	v5 =	vor.u32 $0x80, v5;
	v63 =	vld.idx.msk [tilespmem:v6+s20+$0x0], $0xffff;
	[tilespmem:s4+$0xFFFFFFE0] =	vst v9  }
0x1b9: {  	v9 =	vor.u32 $0x80, v13;
	v13 =	vld.idx.msk [tilespmem:v4+s20+$0x0], $0xffff  }
0x1ba: {  	v6 =	vor.u32 $0x80, v6;
	[tilespmem:s4+$0x0] =	vst v10;
	v4 =	vld.idx.msk [tilespmem:v7+s20+$0x0], $0xffff  }
0x1bb: {  	v0 =	vld [tilespmem:s9+$0xFFFFFFE0];
	[tilespmem:s4+$0xFFFFFFD0] =	vst v8  }
0x1bc: {  	[tilespmem:s4+$0xFFFFFFA0] =	vst v12;
	v19 =	vld.idx.msk [tilespmem:v3+s20+$0x0], $0xffff  }
0x1bd: {  	[tilespmem:s4+$0x70] =	vst v11;
	v10 =	vshll.u32 v62, $0x1;
	v3 =	vld.idx.msk [tilespmem:v5+s20+$0x0], $0xffff;
	v5 =	vshll.u32 v15, $0x1  }
0x1be: {  	v2 =	vld [tilespmem:s9+$0x10];
	v11 =	vand.u32 $0x7F, v15;
	v7 =	vor.u32 $0x80, v7;
	[tilespmem:s4+$0xFFFFFFC0] =	vst v63;
	v5 =	vand.u32 $0xFFFFFF00, v5  }
0x1bf: {  	v10 =	vand.u32 $0xFFFFFF00, v10;
	[tilespmem:s4+$0xFFFFFF90] =	vst v4;
	v4 =	vld.idx.msk [tilespmem:v6+s20+$0x0], $0xffff;
	v6 =	vor.u32 v11, v5;
	v11 =	vand.u32 $0x7F, v62  }
0x1c0: {  	[tilespmem:s4+$0xFFFFFFB0] =	vst v14;
	v8 =	vld [tilespmem:s9+$0x0];
	v10 =	vor.u32 v11, v10  }
0x1c1: {  	v9 =	vld.idx.msk [tilespmem:v9+s20+$0x0], $0xffff  }
0x1c2: {  	v1 =	vld [tilespmem:s9+$0xFFFFFFF0]  }
0x1c3: {  	v12 =	vshll.u32 v18, $0x1;
	[tilespmem:s4+$0x60] =	vst v13;
	v5 =	vld.idx.msk [tilespmem:v7+s20+$0x0], $0xffff  }
0x1c4: {  	s8 =	simm.s32 $0x1B080;
	s0 =	simm.s32 $0x8;
	v11 =	vand.u32 $0xFFFFFF00, v12;
	v7 =	vld [tilespmem:s9+$0xFFFFFFD0];
	v12 =	vand.u32 $0x7F, v18;
	[tilespmem:s4+$0x50] =	vst v19  }
.LBB2_13:
0x1c5: {  	s0 =	sadd.s32 $0x8, s0;
	v13 =	vld.idx.msk [tilespmem:v10+s20+$0x0], $0xffff;
	v10 =	vor.u32 $0x80, v10;
	v14 =	vshll.u32 v2, $0x1;
	v15 =	vor.u32 $0x80, v6;
	s4 =	sadd.s32 $0x100, s4  }
0x1c6: {  	v2 =	vand.u32 $0x7F, v2;
	v11 =	vor.u32 v12, v11;
	s9 =	sadd.s32 $0x80, s9;
	p0 =	slt.u32 s0, $0xF8;
	v16 =	vand.u32 $0x7F, v8;
	v6 =	vld.idx.msk [tilespmem:v6+s20+$0x0], $0xffff;
	[tilespmem:s8+$0x30] =	vst v9  }
0x1c7: {  	v12 =	vand.u32 $0x7F, v1;
	v17 =	vshll.u32 v1, $0x1;
	v18 =	vor.u32 $0x80, v11;
	v9 =	vld [tilespmem:s9+$0xFFFFFFE0];
	[tilespmem:s8+$0x20] =	vst v3  }
0x1c8: {  	v17 =	vand.u32 $0xFFFFFF00, v17;
	v8 =	vshll.u32 v8, $0x1;
	v3 =	vshll.u32 v0, $0x1;
	v1 =	vld [tilespmem:s9+$0xFFFFFFF0];
	[tilespmem:s8+$0x40] =	vst v4  }
0x1c9: {  	v14 =	vand.u32 $0xFFFFFF00, v14;
	v3 =	vand.u32 $0xFFFFFF00, v3;
	v4 =	vld [tilespmem:s9+$0x30];
	v19 =	vand.u32 $0x7F, v7;
	[tilespmem:s8+$0x10] =	vst v5;
	s8 =	smov.u32 s4  }
0x1ca: {  	v20 =	vand.u32 $0x7F, v0;
	v12 =	vor.u32 v12, v17;
	v14 =	vor.u32 v2, v14;
	v5 =	vld [tilespmem:s9+$0xFFFFFFC0]  }
0x1cb: {  	v2 =	vshll.u32 v7, $0x1;
	v3 =	vor.u32 v20, v3;
	[tilespmem:s4+$0xFFFFFF80] =	vst v13;
	v13 =	vand.u32 $0xFFFFFF00, v8;
	v7 =	vld.idx.msk [tilespmem:v11+s20+$0x0], $0xffff  }
0x1cc: {  	v2 =	vand.u32 $0xFFFFFF00, v2;
	v8 =	vld.idx.msk [tilespmem:v10+s20+$0x0], $0xffff;
	v10 =	vor.u32 v16, v13;
	[tilespmem:s4+$0xFFFFFFF0] =	vst v6;
	v0 =	vmov v9  }
0x1cd: {  	v9 =	vor.u32 v19, v2;
	v11 =	vld.idx.msk [tilespmem:v15+s20+$0x0], $0xffff  }
0x1ce: {  	v2 =	vld [tilespmem:s9+$0x10];
	v6 =	vand.u32 $0x7F, v4;
	v4 =	vshll.u32 v4, $0x1  }
0x1cf: {  	v13 =	vshll.u32 v5, $0x1;
	v4 =	vand.u32 $0xFFFFFF00, v4;
	v15 =	vld.idx.msk [tilespmem:v14+s20+$0x0], $0xffff  }
0x1d0: {  	v13 =	vand.u32 $0xFFFFFF00, v13;
	v6 =	vor.u32 v6, v4;
	v4 =	vld.idx.msk [tilespmem:v3+s20+$0x0], $0xffff  }
0x1d1: {  	v14 =	vor.u32 $0x80, v14;
	v16 =	vld.idx.msk [tilespmem:v12+s20+$0x0], $0xffff;
	[tilespmem:s4+$0xFFFFFFE0] =	vst v7  }
0x1d2: {  	v3 =	vor.u32 $0x80, v3;
	[tilespmem:s4+$0x0] =	vst v8;
	v7 =	vld.idx.msk [tilespmem:v10+s20+$0x0], $0xffff  }
0x1d3: {  	v8 =	vor.u32 $0x80, v12;
	v12 =	vld.idx.msk [tilespmem:v18+s20+$0x0], $0xffff;
	[tilespmem:s4+$0x70] =	vst v11  }
0x1d4: {  	v11 =	vld.idx.msk [tilespmem:v9+s20+$0x0], $0xffff  }
0x1d5: {  	v19 =	vor.u32 $0x80, v10;
	v18 =	vor.u32 $0x80, v9;
	v17 =	vld [tilespmem:s9+$0x20];
	[tilespmem:s4+$0xFFFFFFD0] =	vst v15  }
0x1d6: {  	[tilespmem:s4+$0xFFFFFFA0] =	vst v4;
	v14 =	vld.idx.msk [tilespmem:v14+s20+$0x0], $0xffff  }
0x1d7: {  	v4 =	vand.u32 $0x7F, v5;
	v3 =	vld.idx.msk [tilespmem:v3+s20+$0x0], $0xffff;
	[tilespmem:s4+$0xFFFFFFB0] =	vst v16  }
.Ltmp6:
0x1d8: {  	v10 =	vor.u32 v4, v13;
	v9 =	vld.idx.msk [tilespmem:v8+s20+$0x0], $0xffff;
	[tilespmem:s4+$0xFFFFFFC0] =	vst v7;
	(pc) =	sbr.rel @p0 .LBB2_13-.Ltmp6, $4  }
0x1d9: {  	v8 =	vld [tilespmem:s9+$0x0];
	[tilespmem:s4+$0x60] =	vst v12  }
0x1da: {  	v5 =	vshll.u32 v17, $0x1;
	[tilespmem:s4+$0xFFFFFF90] =	vst v11;
	v4 =	vld.idx.msk [tilespmem:v19+s20+$0x0], $0xffff  }
0x1db: {  	v11 =	vand.u32 $0xFFFFFF00, v5;
	v5 =	vld.idx.msk [tilespmem:v18+s20+$0x0], $0xffff  }
0x1dc: {  	v12 =	vand.u32 $0x7F, v17;
	v7 =	vld [tilespmem:s9+$0xFFFFFFD0];
	[tilespmem:s4+$0x50] =	vst v14  }
0x1dd: {  	_ =	sdelay $0x2  }
0x1de: {  	v13 =	vor.u32 $0x80, v10  }
0x1df: {  	v44 =	vld.idx.msk [tilespmem:v10+s20+$0x0], $0xffff;
	v14 =	vshll.u32 v2, $0x1;
	v15 =	vor.u32 $0x80, v6;
	v11 =	vor.u32 v12, v11  }
0x1e0: {  	v46 =	vand.u32 $0x7F, v2;
	v47 =	vld.idx.msk [tilespmem:v6+s20+$0x0], $0xffff;
	v16 =	vand.u32 $0x7F, v1;
	v48 =	vshll.u32 v1, $0x1  }
0x1e1: {  	v49 =	vshll.u32 v0, $0x1;
	v52 =	vand.u32 $0x7F, v0;
	v14 =	vand.u32 $0xFFFFFF00, v14  }
0x1e2: {  	v45 =	vand.u32 $0x7F, v8;
	v1 =	vand.u32 $0xFFFFFF00, v48;
	v2 =	vor.u32 v46, v14  }
0x1e3: {  	s0 =	sadd.s32 $0x100, s4;
	[tilespmem:s8+$0x30] =	vst v9;
	v50 =	vshll.u32 v8, $0x1;
	v51 =	vand.u32 $0xFFFFFF00, v49;
	v1 =	vor.u32 v16, v1  }
0x1e4: {  	v0 =	vor.u32 v52, v51;
	v8 =	vand.u32 $0xFFFFFF00, v50;
	v53 =	vshll.u32 v7, $0x1;
	[tilespmem:s0+$0xFFFFFF80] =	vst v44;
	v54 =	vld.idx.msk [tilespmem:v11+s20+$0x0], $0xffff  }
0x1e5: {  	v8 =	vor.u32 v45, v8;
	v55 =	vand.u32 $0x7F, v7;
	v10 =	vand.u32 $0xFFFFFF00, v53;
	[tilespmem:s0+$0xFFFFFFF0] =	vst v47;
	v13 =	vld.idx.msk [tilespmem:v13+s20+$0x0], $0xffff  }
0x1e6: {  	[tilespmem:s8+$0x20] =	vst v3;
	v56 =	vor.u32 v55, v10;
	v6 =	vld.idx.msk [tilespmem:v15+s20+$0x0], $0xffff  }
0x1e7: {  	v57 =	vor.u32 $0x80, v11;
	[tilespmem:s8+$0x40] =	vst v4;
	v58 =	vld.idx.msk [tilespmem:v2+s20+$0x0], $0xffff  }
0x1e8: {  	[tilespmem:s8+$0x10] =	vst v5;
	v59 =	vld.idx.msk [tilespmem:v1+s20+$0x0], $0xffff;
	v2 =	vor.u32 $0x80, v2  }
0x1e9: {  	v60 =	vld.idx.msk [tilespmem:v0+s20+$0x0], $0xffff;
	v1 =	vor.u32 $0x80, v1;
	[tilespmem:s0+$0xFFFFFFE0] =	vst v54  }
0x1ea: {  	v0 =	vor.u32 $0x80, v0;
	v61 =	vld.idx.msk [tilespmem:v8+s20+$0x0], $0xffff;
	[tilespmem:s0+$0x0] =	vst v13  }
0x1eb: {  	v8 =	vor.u32 $0x80, v8;
	[tilespmem:s0+$0x70] =	vst v6;
	v62 =	vld.idx.msk [tilespmem:v56+s20+$0x0], $0xffff  }
0x1ec: {  	v3 =	vor.u32 $0x80, v56;
	v7 =	vld.idx.msk [tilespmem:v57+s20+$0x0], $0xffff;
	[tilespmem:s0+$0xFFFFFFD0] =	vst v58  }
0x1ed: {  	[tilespmem:s0+$0xFFFFFFB0] =	vst v59;
	v2 =	vld.idx.msk [tilespmem:v2+s20+$0x0], $0xffff  }
0x1ee: {  	[tilespmem:s0+$0xFFFFFFA0] =	vst v60;
	v1 =	vld.idx.msk [tilespmem:v1+s20+$0x0], $0xffff  }
0x1ef: {  	v0 =	vld.idx.msk [tilespmem:v0+s20+$0x0], $0xffff;
	[tilespmem:s0+$0xFFFFFFC0] =	vst v61  }
0x1f0: {  	v63 =	vld.idx.msk [tilespmem:v8+s20+$0x0], $0xffff;
	[tilespmem:s0+$0xFFFFFF90] =	vst v62  }
0x1f1: {  	[tilespmem:s0+$0x60] =	vst v7;
	v3 =	vld.idx.msk [tilespmem:v3+s20+$0x0], $0xffff  }
0x1f2: {  	[tilespmem:s0+$0x50] =	vst v2  }
0x1f3: {  	[tilespmem:s0+$0x30] =	vst v1  }
0x1f4: {  	[tilespmem:s0+$0x20] =	vst v0  }
0x1f5: {  	[tilespmem:s0+$0x40] =	vst v63  }
0x1f6: {  	[tilespmem:s0+$0x10] =	vst v3  }
0x1f7: {  	s0 =	rddreg [dreg:$0x9]  }
0x1f8: {  	[hbm4b:s0+s17] =	stream.strided.scatter [tilespmem:s26], [sflag:$0x5], $0x2000, s18, s17, $0x38;
	[tilespmem:$0x1F000] =	vst v63  }
0x1f9: {  	_ =	swait.ge [sflag:s30], $0x2000  }
0x1fa: {  	[sflag:s30] =	ssyncset.done $0x0  }
0x1fb: {  	[sflag:s30] =	ssyncadd.s32 $0xFFFFE000  }
0x1fc: {  	_ =	swait.ge [sflag:s31], $0x2000  }
0x1fd: {  	[sflag:s31] =	ssyncset.done $0x0  }
0x1fe: {  	s16 =	simm.s32 $0x6;
	[sflag:s31] =	ssyncadd.s32 $0xFFFFE000  }
0x1ff: {  	_ =	swait.ge [sflag:s16], $0x2000  }
0x200: {  	s3 =	sadd.s32 $0x1, s3;
	s22 =	rddreg [dreg:$0xa]  }
0x201: {  	p0 =	sne.s32 s3, s22  }
.Ltmp7:
0x202: {  	_ = 	snop;
	(pc) =	sbr.rel @p0 .LBB2_1-.Ltmp7, $3  }
0x203: {  	_ =	sdelay $0x1  }
0x204: {  	[sflag:s16] =	ssyncset.done $0x0  }
0x205: {  	[sflag:s16] =	ssyncadd.s32 $0xFFFFE000  }
0x206: {  	_ =	sfence.sel $0x180000  }
0x207: {  	[bflag:$0x0] =	sbarrier.arrive $0xFFFF  }
0x208: {  	_ =	strace $0x90000047  }
0x209: {  	s0 =	stileid.u32;
	[bflag:$0x2] =	sbarrier.arrive $0xFFFF  }
0x20a: {  	p0 =	sne.s32 s0, $0x0;
	s0 =	rddreg [dreg:$0x3]  }
0x20b: {  	s0 =	sadd.s32 @!p0 $0x100000, s0  }
0x20c: {  	[sflag:s0] =	ssyncadd.tile.s32 @!p0 $0x1;
	_ =	shalt  }
.Lfunc_end2:
_tile_overlayer_lowered:
.L_overlay_start_2:
0x20d: {  	(tag) =	ssettag $0x2  }
0x20e: {  	s0 =	rddreg [dreg:$0x0];
	s2 =	stileid.u32  }
0x20f: {  	s1 =	rddreg [dreg:$0x1];
	p0 =	sne.s32 s2, $0x0  }
0x210: {  	s3 =	rddreg [dreg:$0x2];
	[bflag:$0x3] =	sbarrier.arrive $0xFFFF;
	s2 =	simm.s32 @!p0 $0x1C07  }
0x211: {  	[timem:s3], [sflag:s2] =	dma.local @!p0 [hbm:s0], s1  }
0x212: {  	s0 =	simm.s32 @!p0 $0x7  }
0x213: {  	_ =	swait.ge @!p0 [sflag:s0], s1  }
0x214: {  	s1 =	ssub.s32 @!p0 $0x0, s1;
	[sflag:s0] =	ssyncset.done @!p0 $0x0  }
0x215: {  	[sflag:s0] =	ssyncadd.s32 @!p0 s1  }
0x216: {  	[bflag:$0x3] =	sbarrier.arrive $0xFFFF  }
0x217: {  	_ =	shalt  }

</sc_bundles>
